<compile_context>
chip_gen: v7x
topology: tpu7x:2x2x1
jax: 0.10.2.dev20260603
libtpu: 0.0.44.dev20260713+nightly
codegen_flags: <defaults>
</compile_context>

<pallas_src>
import functools
import jax
import jax.numpy as jnp
import numpy as np
from jax import lax
from jax.experimental import pallas as pl
from jax.experimental.pallas import tpu as pltpu
from jax.experimental.pallas import tpu_sc as plsc

_B, _T, _C, _H, _W = 8, 4, 192, 24, 24
_HW = _H * _W
_K = _HW // 2
_MININT = np.int32(-2147483648)
_NROWS = _B * _HW
_RPW = _NROWS // 32


def _threefry2x32(k0, k1, x0, x1):
    rot = [[13, 15, 26, 6], [17, 29, 16, 24]]
    ks = [np.uint32(k0), np.uint32(k1), np.uint32(k0 ^ k1 ^ 0x1BD11BDA)]
    x0 = (x0 + ks[0]).astype(np.uint32)
    x1 = (x1 + ks[1]).astype(np.uint32)

    def rl(v, d):
        return ((v << np.uint32(d)) | (v >> np.uint32(32 - d))).astype(np.uint32)

    for i in range(5):
        for r in rot[i % 2]:
            x0 = (x0 + x1).astype(np.uint32)
            x1 = rl(x1, r) ^ x0
        x0 = (x0 + ks[(i + 1) % 3]).astype(np.uint32)
        x1 = (x1 + ks[(i + 2) % 3] + np.uint32(i + 1)).astype(np.uint32)
    return x0, x1


def _gumbel_const(seed, shape):
    n = int(np.prod(shape))
    x0, x1 = _threefry2x32(np.uint32(seed >> 32), np.uint32(seed & 0xFFFFFFFF),
                           np.zeros(n, np.uint32), np.arange(n, dtype=np.uint32))
    bits = x0 ^ x1
    f = ((bits >> np.uint32(9)) | np.uint32(0x3F800000)).view(np.float32) \
        - np.float32(1.0)
    tiny = np.float32(np.finfo(np.float32).tiny)
    u = np.maximum(tiny, f * (np.float32(1.0) - tiny) + tiny)
    return (-np.log(-np.log(u))).astype(np.float32).reshape(shape)


_GUMBEL = _gumbel_const(42, (_B, _HW))


def _tc_stream_body(preds_ref, tgts_ref, out_ref, d_acc):
    i = pl.program_id(1)

    @pl.when(i == 0)
    def _init():
        d_acc[...] = jnp.abs(preds_ref[0] - tgts_ref[0])

    @pl.when(i == 1)
    def _fin():
        d = d_acc[...] + jnp.abs(preds_ref[0] - tgts_ref[0])
        out_ref[0] = jnp.transpose(jnp.sum(d, axis=1, keepdims=True))


def _make_sc_stream():
    mesh = plsc.VectorSubcoreMesh(core_axis_name="c", subcore_axis_name="s")

    @functools.partial(
        pl.kernel, mesh=mesh,
        out_type=jax.ShapeDtypeStruct((_NROWS, _C), jnp.float32),
        scratch_types=[
            pltpu.VMEM((_RPW, _C), jnp.float32),
            pltpu.VMEM((_RPW, _C), jnp.float32),
            pltpu.VMEM((_RPW, _C), jnp.float32),
        ],
    )
    def sc_stream(preds_hbm, tgts_hbm, out_hbm, p_v, t_v, acc_v):
        wid = lax.axis_index("s") * 2 + lax.axis_index("c")
        b = wid // 4
        q = wid - b * 4

        def do_t(t):
            row0 = pl.multiple_of((b * _T + t) * _HW + q * _RPW, _RPW)
            pltpu.sync_copy(preds_hbm.at[pl.ds(row0, _RPW)], p_v)
            pltpu.sync_copy(tgts_hbm.at[pl.ds(row0, _RPW)], t_v)

            def row(r, c):
                for j in range(_C // 16):
                    sl = pl.ds(j * 16, 16)
                    d = jnp.abs(p_v[r, sl] - t_v[r, sl])
                    if t == 2:
                        acc_v[r, sl] = d
                    else:
                        acc_v[r, sl] = acc_v[r, sl] + d
                return c

            lax.fori_loop(0, _RPW, row, 0)

        do_t(2)
        do_t(3)
        obase = pl.multiple_of(wid * _RPW, _RPW)
        pltpu.sync_copy(acc_v, out_hbm.at[pl.ds(obase, _RPW)])

    return sc_stream


def _orderable(f):
    b = jax.lax.bitcast_convert_type(f, jnp.int32)
    return jnp.where(b >= 0, b, _MININT - b)


def _select_body(dsc_ref, xrep_ref, gumb_ref, dtc_ref, out_ref, drows, srows):
    b = pl.program_id(0)

    dcol = jnp.sum(dsc_ref[0], axis=1, keepdims=True)
    drows[pl.ds(b, 1)] = dtc_ref[0] + jnp.transpose(dcol)
    x = xrep_ref[0]
    norm = jnp.sqrt(jnp.sum(x * x, axis=1, keepdims=True))
    scol = gumb_ref[0] - jnp.log(norm + 1e-7)
    srows[pl.ds(b, 1)] = jnp.transpose(scol)

    @pl.when(b == _B - 1)
    def _select():
        key = _orderable(srows[...])
        u_v = jnp.zeros((_B, 1), jnp.int32)
        for bit in range(31, -1, -1):
            cand_u = jnp.bitwise_or(u_v, jnp.int32(1 << bit) if bit < 31
                                    else _MININT)
            icand = jnp.bitwise_xor(cand_u, _MININT)
            cnt = jnp.sum((key >= icand).astype(jnp.float32), axis=1,
                          keepdims=True)
            u_v = jnp.where(cnt >= float(_K), cand_u, u_v)
        iv = jnp.bitwise_xor(u_v, _MININT)
        gt = key > iv
        eq = key == iv
        n_gt = jnp.sum(gt.astype(jnp.float32), axis=1, keepdims=True)
        need = jnp.float32(_K) - n_gt
        idx = jax.lax.broadcasted_iota(jnp.int32, (_B, _HW), 1)
        m = jnp.zeros((_B, 1), jnp.int32)
        for bit in range(9, -1, -1):
            cand = m + jnp.int32(1 << bit)
            cnt = jnp.sum(jnp.where(eq & (idx < cand), 1.0, 0.0), axis=1,
                          keepdims=True)
            m = jnp.where(cnt < need, cand, m)
        m = m + 1
        mask = gt | (eq & (idx < m))
        out_ref[...] = jnp.sum(jnp.where(mask, drows[...], 0.0),
                               axis=(0, 1), keepdims=True).reshape(1, 1)


_SC_STREAM = None


def kernel(out_preds, out_targets, tl, tv, x_rep, in_x, in_l, in_v, in_n):
    global _SC_STREAM
    del tl, tv, in_x, in_l, in_v, in_n
    preds = jnp.transpose(out_preds, (0, 1, 3, 4, 2)).reshape(_B, _T * _HW, _C)
    tgts = jnp.transpose(out_targets, (0, 1, 3, 4, 2)).reshape(_B, _T * _HW, _C)
    preds_f = preds.reshape(_B * _T * _HW, _C)
    tgts_f = tgts.reshape(_B * _T * _HW, _C)
    xrep = jnp.transpose(x_rep, (0, 2, 3, 1)).reshape(_B, _HW, _C)
    gumb = jnp.asarray(_GUMBEL).reshape(_B, _HW, 1)

    dtc = pl.pallas_call(
        _tc_stream_body,
        grid=(_B, 2),
        in_specs=[
            pl.BlockSpec((1, _HW, _C), lambda b, i: (b, i, 0)),
            pl.BlockSpec((1, _HW, _C), lambda b, i: (b, i, 0)),
        ],
        out_specs=pl.BlockSpec((1, 1, _HW), lambda b, i: (b, 0, 0)),
        out_shape=jax.ShapeDtypeStruct((_B, 1, _HW), jnp.float32),
        scratch_shapes=[pltpu.VMEM((_HW, _C), jnp.float32)],
    )(preds, tgts)

    if _SC_STREAM is None:
        _SC_STREAM = _make_sc_stream()
    dsc = _SC_STREAM(preds_f, tgts_f)

    total = pl.pallas_call(
        _select_body,
        grid=(_B,),
        in_specs=[
            pl.BlockSpec((1, _HW, _C), lambda b: (b, 0, 0)),
            pl.BlockSpec((1, _HW, _C), lambda b: (b, 0, 0)),
            pl.BlockSpec((1, _HW, 1), lambda b: (b, 0, 0)),
            pl.BlockSpec((1, 1, _HW), lambda b: (b, 0, 0)),
        ],
        out_specs=pl.BlockSpec((1, 1), lambda b: (0, 0)),
        out_shape=jax.ShapeDtypeStruct((1, 1), jnp.float32),
        scratch_shapes=[pltpu.VMEM((_B, _HW), jnp.float32),
                        pltpu.VMEM((_B, _HW), jnp.float32)],
    )(dsc.reshape(_B, _HW, _C), xrep, gumb, dtc)
    return total[0, 0] / np.float32(_B * _T * _K * _C)

# --- scband reference (transcript-rebuilt; emitter-appended) ---
"""Pipeline reference for scband-maeloss-sampled-by-neural-norm-81157702025868 (READ-ONLY COPY).

The authoritative reference and input builder live on the scoring server;
editing this copy changes nothing except your own understanding.
"""

import jax, jax.numpy as jnp
import numpy as np


def setup_inputs(seed: int = 0) -> dict:
    key = jax.random.key(seed)
    ks = jax.random.split(key, 9)
    B, T, C, H, W = 8, 4, 192, 24, 24
    out_preds = jax.random.normal(ks[0], (B, T, C, H, W), dtype=jnp.float32)
    out_targets = jax.random.normal(ks[1], (B, T, C, H, W), dtype=jnp.float32)
    tl = jax.random.normal(ks[2], (B,), dtype=jnp.float32)
    tv = jax.random.normal(ks[3], (B,), dtype=jnp.float32)
    x_rep = jax.random.normal(ks[4], (B, 192, H, W), dtype=jnp.float32)
    in_x = jax.random.normal(ks[5], (1,), dtype=jnp.float32)
    in_l = jax.random.normal(ks[6], (1,), dtype=jnp.float32)
    in_v = jax.random.normal(ks[7], (1,), dtype=jnp.float32)
    in_n = jax.random.normal(ks[8], (1,), dtype=jnp.float32)
    return {"out_preds": out_preds, "out_targets": out_targets, "tl": tl, "tv": tv,
            "x_rep": x_rep, "in_x": in_x, "in_l": in_l, "in_v": in_v, "in_n": in_n}


def reference(out_preds, out_targets, tl, tv, x_rep, in_x, in_l, in_v, in_n):
    B, T, C, H, W = out_preds.shape
    num_samples = int(H * W * 0.5)
    # inverse L2 norm over channel dim (-3) of detached x_rep -> sampling weights
    inv_x_rep_norm = 1.0 / (jnp.linalg.norm(jax.lax.stop_gradient(x_rep), axis=-3) + 1e-07)  # [B, H, W]
    logits = jnp.log(inv_x_rep_norm.reshape(B, H * W))
    # multinomial without replacement == Gumbel top-k over log-weights
    g = jax.random.gumbel(jax.random.key(42), logits.shape, dtype=logits.dtype)
    _, sel = jax.lax.top_k(logits + g, num_samples)  # [B, num_samples]
    # permute(0,1,3,4,2) -> [B, T, H, W, C], flatten spatial, gather selected sites
    preds = jnp.transpose(out_preds, (0, 1, 3, 4, 2)).reshape(B, T, H * W, C)
    tgts = jnp.transpose(out_targets, (0, 1, 3, 4, 2)).reshape(B, T, H * W, C)
    sel_b = sel[:, None, :, None]  # broadcast over T and C
    p = jnp.take_along_axis(preds, sel_b, axis=2)  # [B, T, num_samples, C]
    t = jnp.take_along_axis(tgts, sel_b, axis=2)
    # F.l1_loss with reduction='mean' over all selected elements
    return jnp.mean(jnp.abs(p - t))

if __name__ == "__main__":
    import jax
    _d = setup_inputs()
    print(jax.jit(kernel)(*tuple(_d.values())))

</pallas_src>

<mosaic_0001>
#map = affine_map<(d0, d1) -> (0, 0)>
module attributes {stable_mosaic.version = 14 : i64} {
  func.func @sc_stream(%arg0: i32, %arg1: i32, %arg2: memref<18432x192xf32, #tpu.memory_space<hbm>>, %arg3: memref<18432x192xf32, #tpu.memory_space<hbm>>, %arg4: memref<4608x192xf32, #tpu.memory_space<hbm>>, %arg5: memref<144x192xf32, #tpu.memory_space<vmem>>, %arg6: memref<144x192xf32, #tpu.memory_space<vmem>>, %arg7: memref<144x192xf32, #tpu.memory_space<vmem>>) attributes {dimension_semantics = [#tpu.dimension_semantics<core_parallel>, #tpu.dimension_semantics<subcore_parallel>], iteration_bounds = array<i64: 2, 16>, scalar_prefetch = 0 : i64, scratch_operands = 3 : i64, tpu.core_type = #tpu.core_type<sc_vector_subcore>, window_params = [{transform_indices = #map}, {transform_indices = #map}, {transform_indices = #map}]} {
    %mul3A = arith.constant 2 : i32
    %mul3A_0 = arith.muli %arg1, %mul3A : i32
    %add3A = arith.addi %mul3A_0, %arg0 : i32
    %jit3A = arith.constant 4 : i32
    %div3A = arith.divsi %add3A, %jit3A : i32
    %sign3A = arith.constant 0 : i32
    %sign3A_1 = arith.cmpi sgt, %add3A, %sign3A : i32
    %sign3A_2 = arith.extui %sign3A_1 : i1 to i32
    %sign3A_3 = arith.constant 0 : i32
    %sign3A_4 = arith.cmpi slt, %add3A, %sign3A_3 : i32
    %sign3A_5 = arith.extui %sign3A_4 : i1 to i32
    %sign3A_6 = arith.subi %sign3A_2, %sign3A_5 : i32
    %sign3A_7 = arith.constant 0 : i32
    %sign3A_8 = arith.cmpi sgt, %jit3A, %sign3A_7 : i32
    %sign3A_9 = arith.extui %sign3A_8 : i1 to i32
    %sign3A_10 = arith.constant 0 : i32
    %sign3A_11 = arith.cmpi slt, %jit3A, %sign3A_10 : i32
    %sign3A_12 = arith.extui %sign3A_11 : i1 to i32
    %sign3A_13 = arith.subi %sign3A_9, %sign3A_12 : i32
    %ne3A = arith.cmpi ne, %sign3A_6, %sign3A_13 : i32
    %rem3A = arith.remsi %add3A, %jit3A : i32
    %ne3A_14 = arith.constant 0 : i32
    %ne3A_15 = arith.cmpi ne, %rem3A, %ne3A_14 : i32
    %and3A = arith.andi %ne3A, %ne3A_15 : i1
    %sub3A = arith.constant 1 : i32
    %sub3A_16 = arith.subi %div3A, %sub3A : i32
    %select_n3A = arith.select %and3A, %sub3A_16, %div3A : i32
    %mul3A_17 = arith.constant 4 : i32
    %mul3A_18 = arith.muli %select_n3A, %mul3A_17 : i32
    %sub3A_19 = arith.subi %add3A, %mul3A_18 : i32
    %mul3A_20 = arith.constant 4 : i32
    %mul3A_21 = arith.muli %select_n3A, %mul3A_20 : i32
    %add3A_22 = arith.constant 2 : i32
    %add3A_23 = arith.addi %mul3A_21, %add3A_22 : i32
    %mul3A_24 = arith.constant 576 : i32
    %mul3A_25 = arith.muli %add3A_23, %mul3A_24 : i32
    %mul3A_26 = arith.constant 144 : i32
    %mul3A_27 = arith.muli %sub3A_19, %mul3A_26 : i32
    %add3A_28 = arith.addi %mul3A_25, %mul3A_27 : i32
    %multiple_of3A = tpu.assume_multiple %add3A_28, 144 : i32
    "tpu.region"() ({
      %run_scoped3A = tpu.sem_alloc : memref<!tpu.dma_semaphore, #tpu.memory_space<semaphore_mem>>
      %dma_start3A = arith.constant 0 : i32
      %dma_start3A_53 = tpu.memref_slice %arg2[%multiple_of3A, %dma_start3A] : memref<18432x192xf32, #tpu.memory_space<hbm>> -> memref<144x192xf32, #tpu.memory_space<hbm>>
      %dma_start3A_54 = arith.constant 0 : i32
      %dma_start3A_55 = tpu.memref_slice %arg2[%multiple_of3A, %dma_start3A_54] : memref<18432x192xf32, #tpu.memory_space<hbm>> -> memref<144x192xf32, #tpu.memory_space<hbm>>
      tpu.enqueue_dma source(%dma_start3A_55 : memref<144x192xf32, #tpu.memory_space<hbm>>) target(%arg5 : memref<144x192xf32, #tpu.memory_space<vmem>>) target_semaphore(%run_scoped3A : memref<!tpu.dma_semaphore, #tpu.memory_space<semaphore_mem>>)
      %dma_wait3A = arith.constant 0 : i32
      %dma_wait3A_56 = tpu.memref_slice %arg2[%multiple_of3A, %dma_wait3A] : memref<18432x192xf32, #tpu.memory_space<hbm>> -> memref<144x192xf32, #tpu.memory_space<hbm>>
      %dma_wait3A_57 = arith.constant 0 : i32
      %dma_wait3A_58 = tpu.memref_slice %arg2[%multiple_of3A, %dma_wait3A_57] : memref<18432x192xf32, #tpu.memory_space<hbm>> -> memref<144x192xf32, #tpu.memory_space<hbm>>
      tpu.wait_dma2 semaphore(%run_scoped3A : memref<!tpu.dma_semaphore, #tpu.memory_space<semaphore_mem>>) src(%dma_wait3A_58 : memref<144x192xf32, #tpu.memory_space<hbm>>) dst(%arg5 : memref<144x192xf32, #tpu.memory_space<vmem>>)
      tpu.yield
    }) : () -> ()
    "tpu.region"() ({
      %run_scoped3A = tpu.sem_alloc : memref<!tpu.dma_semaphore, #tpu.memory_space<semaphore_mem>>
      %dma_start3A = arith.constant 0 : i32
      %dma_start3A_53 = tpu.memref_slice %arg3[%multiple_of3A, %dma_start3A] : memref<18432x192xf32, #tpu.memory_space<hbm>> -> memref<144x192xf32, #tpu.memory_space<hbm>>
      %dma_start3A_54 = arith.constant 0 : i32
      %dma_start3A_55 = tpu.memref_slice %arg3[%multiple_of3A, %dma_start3A_54] : memref<18432x192xf32, #tpu.memory_space<hbm>> -> memref<144x192xf32, #tpu.memory_space<hbm>>
      tpu.enqueue_dma source(%dma_start3A_55 : memref<144x192xf32, #tpu.memory_space<hbm>>) target(%arg6 : memref<144x192xf32, #tpu.memory_space<vmem>>) target_semaphore(%run_scoped3A : memref<!tpu.dma_semaphore, #tpu.memory_space<semaphore_mem>>)
      %dma_wait3A = arith.constant 0 : i32
      %dma_wait3A_56 = tpu.memref_slice %arg3[%multiple_of3A, %dma_wait3A] : memref<18432x192xf32, #tpu.memory_space<hbm>> -> memref<144x192xf32, #tpu.memory_space<hbm>>
      %dma_wait3A_57 = arith.constant 0 : i32
      %dma_wait3A_58 = tpu.memref_slice %arg3[%multiple_of3A, %dma_wait3A_57] : memref<18432x192xf32, #tpu.memory_space<hbm>> -> memref<144x192xf32, #tpu.memory_space<hbm>>
      tpu.wait_dma2 semaphore(%run_scoped3A : memref<!tpu.dma_semaphore, #tpu.memory_space<semaphore_mem>>) src(%dma_wait3A_58 : memref<144x192xf32, #tpu.memory_space<hbm>>) dst(%arg6 : memref<144x192xf32, #tpu.memory_space<vmem>>)
      tpu.yield
    }) : () -> ()
    %scan3A = arith.constant 0 : i32
    %scan3A_29 = arith.constant 0 : i32
    %scan3A_30 = arith.constant 144 : i32
    %scan3A_31 = arith.addi %scan3A_29, %scan3A_30 : i32
    %scan3A_32 = arith.constant 1 : i32
    scf.for %scan3A_53 = %scan3A_29 to %scan3A_31 step %scan3A_32  : i32 {
      %get3A = arith.index_cast %scan3A_53 : i32 to index
      %get3A_54 = arith.constant 0 : index
      %get3A_55 = tpu.vector_load %arg5[%get3A, %get3A_54] {strides = array<i32>} : memref<144x192xf32, #tpu.memory_space<vmem>>, vector<1x16xf32>,
      %get3A_56 = vector.shape_cast %get3A_55 : vector<1x16xf32> to vector<16xf32>
      %get3A_57 = arith.index_cast %scan3A_53 : i32 to index
      %get3A_58 = arith.constant 0 : index
      %get3A_59 = tpu.vector_load %arg6[%get3A_57, %get3A_58] {strides = array<i32>} : memref<144x192xf32, #tpu.memory_space<vmem>>, vector<1x16xf32>,
      %get3A_60 = vector.shape_cast %get3A_59 : vector<1x16xf32> to vector<16xf32>
      %sub3A_61 = arith.subf %get3A_56, %get3A_60 : vector<16xf32>
      %abs3A = math.absf %sub3A_61 : vector<16xf32>
      %swap3A = arith.index_cast %scan3A_53 : i32 to index
      %swap3A_62 = arith.constant 0 : index
      %swap3A_63 = tpu.vector_load %arg7[%swap3A, %swap3A_62] {strides = array<i32>} : memref<144x192xf32, #tpu.memory_space<vmem>>, vector<1x16xf32>,
      %swap3A_64 = vector.shape_cast %swap3A_63 : vector<1x16xf32> to vector<16xf32>
      %swap3A_65 = vector.shape_cast %abs3A : vector<16xf32> to vector<1x16xf32>
      tpu.vector_store %arg7[%swap3A, %swap3A_62], %swap3A_65 {strides = array<i32>} : memref<144x192xf32, #tpu.memory_space<vmem>>, vector<1x16xf32>,
      %get3A_66 = arith.index_cast %scan3A_53 : i32 to index
      %get3A_67 = arith.constant 16 : index
      %get3A_68 = tpu.vector_load %arg5[%get3A_66, %get3A_67] {strides = array<i32>} : memref<144x192xf32, #tpu.memory_space<vmem>>, vector<1x16xf32>,
      %get3A_69 = vector.shape_cast %get3A_68 : vector<1x16xf32> to vector<16xf32>
      %get3A_70 = arith.index_cast %scan3A_53 : i32 to index
      %get3A_71 = arith.constant 16 : index
      %get3A_72 = tpu.vector_load %arg6[%get3A_70, %get3A_71] {strides = array<i32>} : memref<144x192xf32, #tpu.memory_space<vmem>>, vector<1x16xf32>,
      %get3A_73 = vector.shape_cast %get3A_72 : vector<1x16xf32> to vector<16xf32>
      %sub3A_74 = arith.subf %get3A_69, %get3A_73 : vector<16xf32>
      %abs3A_75 = math.absf %sub3A_74 : vector<16xf32>
      %swap3A_76 = arith.index_cast %scan3A_53 : i32 to index
      %swap3A_77 = arith.constant 16 : index
      %swap3A_78 = tpu.vector_load %arg7[%swap3A_76, %swap3A_77] {strides = array<i32>} : memref<144x192xf32, #tpu.memory_space<vmem>>, vector<1x16xf32>,
      %swap3A_79 = vector.shape_cast %swap3A_78 : vector<1x16xf32> to vector<16xf32>
      %swap3A_80 = vector.shape_cast %abs3A_75 : vector<16xf32> to vector<1x16xf32>
      tpu.vector_store %arg7[%swap3A_76, %swap3A_77], %swap3A_80 {strides = array<i32>} : memref<144x192xf32, #tpu.memory_space<vmem>>, vector<1x16xf32>,
      %get3A_81 = arith.index_cast %scan3A_53 : i32 to index
      %get3A_82 = arith.constant 32 : index
      %get3A_83 = tpu.vector_load %arg5[%get3A_81, %get3A_82] {strides = array<i32>} : memref<144x192xf32, #tpu.memory_space<vmem>>, vector<1x16xf32>,
      %get3A_84 = vector.shape_cast %get3A_83 : vector<1x16xf32> to vector<16xf32>
      %get3A_85 = arith.index_cast %scan3A_53 : i32 to index
      %get3A_86 = arith.constant 32 : index
      %get3A_87 = tpu.vector_load %arg6[%get3A_85, %get3A_86] {strides = array<i32>} : memref<144x192xf32, #tpu.memory_space<vmem>>, vector<1x16xf32>,
      %get3A_88 = vector.shape_cast %get3A_87 : vector<1x16xf32> to vector<16xf32>
      %sub3A_89 = arith.subf %get3A_84, %get3A_88 : vector<16xf32>
      %abs3A_90 = math.absf %sub3A_89 : vector<16xf32>
      %swap3A_91 = arith.index_cast %scan3A_53 : i32 to index
      %swap3A_92 = arith.constant 32 : index
      %swap3A_93 = tpu.vector_load %arg7[%swap3A_91, %swap3A_92] {strides = array<i32>} : memref<144x192xf32, #tpu.memory_space<vmem>>, vector<1x16xf32>,
      %swap3A_94 = vector.shape_cast %swap3A_93 : vector<1x16xf32> to vector<16xf32>
      %swap3A_95 = vector.shape_cast %abs3A_90 : vector<16xf32> to vector<1x16xf32>
      tpu.vector_store %arg7[%swap3A_91, %swap3A_92], %swap3A_95 {strides = array<i32>} : memref<144x192xf32, #tpu.memory_space<vmem>>, vector<1x16xf32>,
      %get3A_96 = arith.index_cast %scan3A_53 : i32 to index
      %get3A_97 = arith.constant 48 : index
      %get3A_98 = tpu.vector_load %arg5[%get3A_96, %get3A_97] {strides = array<i32>} : memref<144x192xf32, #tpu.memory_space<vmem>>, vector<1x16xf32>,
      %get3A_99 = vector.shape_cast %get3A_98 : vector<1x16xf32> to vector<16xf32>
      %get3A_100 = arith.index_cast %scan3A_53 : i32 to index
      %get3A_101 = arith.constant 48 : index
      %get3A_102 = tpu.vector_load %arg6[%get3A_100, %get3A_101] {strides = array<i32>} : memref<144x192xf32, #tpu.memory_space<vmem>>, vector<1x16xf32>,
      %get3A_103 = vector.shape_cast %get3A_102 : vector<1x16xf32> to vector<16xf32>
      %sub3A_104 = arith.subf %get3A_99, %get3A_103 : vector<16xf32>
      %abs3A_105 = math.absf %sub3A_104 : vector<16xf32>
      %swap3A_106 = arith.index_cast %scan3A_53 : i32 to index
      %swap3A_107 = arith.constant 48 : index
      %swap3A_108 = tpu.vector_load %arg7[%swap3A_106, %swap3A_107] {strides = array<i32>} : memref<144x192xf32, #tpu.memory_space<vmem>>, vector<1x16xf32>,
      %swap3A_109 = vector.shape_cast %swap3A_108 : vector<1x16xf32> to vector<16xf32>
      %swap3A_110 = vector.shape_cast %abs3A_105 : vector<16xf32> to vector<1x16xf32>
      tpu.vector_store %arg7[%swap3A_106, %swap3A_107], %swap3A_110 {strides = array<i32>} : memref<144x192xf32, #tpu.memory_space<vmem>>, vector<1x16xf32>,
      %get3A_111 = arith.index_cast %scan3A_53 : i32 to index
      %get3A_112 = arith.constant 64 : index
      %get3A_113 = tpu.vector_load %arg5[%get3A_111, %get3A_112] {strides = array<i32>} : memref<144x192xf32, #tpu.memory_space<vmem>>, vector<1x16xf32>,
      %get3A_114 = vector.shape_cast %get3A_113 : vector<1x16xf32> to vector<16xf32>
      %get3A_115 = arith.index_cast %scan3A_53 : i32 to index
      %get3A_116 = arith.constant 64 : index
      %get3A_117 = tpu.vector_load %arg6[%get3A_115, %get3A_116] {strides = array<i32>} : memref<144x192xf32, #tpu.memory_space<vmem>>, vector<1x16xf32>,
      %get3A_118 = vector.shape_cast %get3A_117 : vector<1x16xf32> to vector<16xf32>
      %sub3A_119 = arith.subf %get3A_114, %get3A_118 : vector<16xf32>
      %abs3A_120 = math.absf %sub3A_119 : vector<16xf32>
      %swap3A_121 = arith.index_cast %scan3A_53 : i32 to index
      %swap3A_122 = arith.constant 64 : index
      %swap3A_123 = tpu.vector_load %arg7[%swap3A_121, %swap3A_122] {strides = array<i32>} : memref<144x192xf32, #tpu.memory_space<vmem>>, vector<1x16xf32>,
      %swap3A_124 = vector.shape_cast %swap3A_123 : vector<1x16xf32> to vector<16xf32>
      %swap3A_125 = vector.shape_cast %abs3A_120 : vector<16xf32> to vector<1x16xf32>
      tpu.vector_store %arg7[%swap3A_121, %swap3A_122], %swap3A_125 {strides = array<i32>} : memref<144x192xf32, #tpu.memory_space<vmem>>, vector<1x16xf32>,
      %get3A_126 = arith.index_cast %scan3A_53 : i32 to index
      %get3A_127 = arith.constant 80 : index
      %get3A_128 = tpu.vector_load %arg5[%get3A_126, %get3A_127] {strides = array<i32>} : memref<144x192xf32, #tpu.memory_space<vmem>>, vector<1x16xf32>,
      %get3A_129 = vector.shape_cast %get3A_128 : vector<1x16xf32> to vector<16xf32>
      %get3A_130 = arith.index_cast %scan3A_53 : i32 to index
      %get3A_131 = arith.constant 80 : index
      %get3A_132 = tpu.vector_load %arg6[%get3A_130, %get3A_131] {strides = array<i32>} : memref<144x192xf32, #tpu.memory_space<vmem>>, vector<1x16xf32>,
      %get3A_133 = vector.shape_cast %get3A_132 : vector<1x16xf32> to vector<16xf32>
      %sub3A_134 = arith.subf %get3A_129, %get3A_133 : vector<16xf32>
      %abs3A_135 = math.absf %sub3A_134 : vector<16xf32>
      %swap3A_136 = arith.index_cast %scan3A_53 : i32 to index
      %swap3A_137 = arith.constant 80 : index
      %swap3A_138 = tpu.vector_load %arg7[%swap3A_136, %swap3A_137] {strides = array<i32>} : memref<144x192xf32, #tpu.memory_space<vmem>>, vector<1x16xf32>,
      %swap3A_139 = vector.shape_cast %swap3A_138 : vector<1x16xf32> to vector<16xf32>
      %swap3A_140 = vector.shape_cast %abs3A_135 : vector<16xf32> to vector<1x16xf32>
      tpu.vector_store %arg7[%swap3A_136, %swap3A_137], %swap3A_140 {strides = array<i32>} : memref<144x192xf32, #tpu.memory_space<vmem>>, vector<1x16xf32>,
      %get3A_141 = arith.index_cast %scan3A_53 : i32 to index
      %get3A_142 = arith.constant 96 : index
      %get3A_143 = tpu.vector_load %arg5[%get3A_141, %get3A_142] {strides = array<i32>} : memref<144x192xf32, #tpu.memory_space<vmem>>, vector<1x16xf32>,
      %get3A_144 = vector.shape_cast %get3A_143 : vector<1x16xf32> to vector<16xf32>
      %get3A_145 = arith.index_cast %scan3A_53 : i32 to index
      %get3A_146 = arith.constant 96 : index
      %get3A_147 = tpu.vector_load %arg6[%get3A_145, %get3A_146] {strides = array<i32>} : memref<144x192xf32, #tpu.memory_space<vmem>>, vector<1x16xf32>,
      %get3A_148 = vector.shape_cast %get3A_147 : vector<1x16xf32> to vector<16xf32>
      %sub3A_149 = arith.subf %get3A_144, %get3A_148 : vector<16xf32>
      %abs3A_150 = math.absf %sub3A_149 : vector<16xf32>
      %swap3A_151 = arith.index_cast %scan3A_53 : i32 to index
      %swap3A_152 = arith.constant 96 : index
      %swap3A_153 = tpu.vector_load %arg7[%swap3A_151, %swap3A_152] {strides = array<i32>} : memref<144x192xf32, #tpu.memory_space<vmem>>, vector<1x16xf32>,
      %swap3A_154 = vector.shape_cast %swap3A_153 : vector<1x16xf32> to vector<16xf32>
      %swap3A_155 = vector.shape_cast %abs3A_150 : vector<16xf32> to vector<1x16xf32>
      tpu.vector_store %arg7[%swap3A_151, %swap3A_152], %swap3A_155 {strides = array<i32>} : memref<144x192xf32, #tpu.memory_space<vmem>>, vector<1x16xf32>,
      %get3A_156 = arith.index_cast %scan3A_53 : i32 to index
      %get3A_157 = arith.constant 112 : index
      %get3A_158 = tpu.vector_load %arg5[%get3A_156, %get3A_157] {strides = array<i32>} : memref<144x192xf32, #tpu.memory_space<vmem>>, vector<1x16xf32>,
      %get3A_159 = vector.shape_cast %get3A_158 : vector<1x16xf32> to vector<16xf32>
      %get3A_160 = arith.index_cast %scan3A_53 : i32 to index
      %get3A_161 = arith.constant 112 : index
      %get3A_162 = tpu.vector_load %arg6[%get3A_160, %get3A_161] {strides = array<i32>} : memref<144x192xf32, #tpu.memory_space<vmem>>, vector<1x16xf32>,
      %get3A_163 = vector.shape_cast %get3A_162 : vector<1x16xf32> to vector<16xf32>
      %sub3A_164 = arith.subf %get3A_159, %get3A_163 : vector<16xf32>
      %abs3A_165 = math.absf %sub3A_164 : vector<16xf32>
      %swap3A_166 = arith.index_cast %scan3A_53 : i32 to index
      %swap3A_167 = arith.constant 112 : index
      %swap3A_168 = tpu.vector_load %arg7[%swap3A_166, %swap3A_167] {strides = array<i32>} : memref<144x192xf32, #tpu.memory_space<vmem>>, vector<1x16xf32>,
      %swap3A_169 = vector.shape_cast %swap3A_168 : vector<1x16xf32> to vector<16xf32>
      %swap3A_170 = vector.shape_cast %abs3A_165 : vector<16xf32> to vector<1x16xf32>
      tpu.vector_store %arg7[%swap3A_166, %swap3A_167], %swap3A_170 {strides = array<i32>} : memref<144x192xf32, #tpu.memory_space<vmem>>, vector<1x16xf32>,
      %get3A_171 = arith.index_cast %scan3A_53 : i32 to index
      %get3A_172 = arith.constant 128 : index
      %get3A_173 = tpu.vector_load %arg5[%get3A_171, %get3A_172] {strides = array<i32>} : memref<144x192xf32, #tpu.memory_space<vmem>>, vector<1x16xf32>,
      %get3A_174 = vector.shape_cast %get3A_173 : vector<1x16xf32> to vector<16xf32>
      %get3A_175 = arith.index_cast %scan3A_53 : i32 to index
      %get3A_176 = arith.constant 128 : index
      %get3A_177 = tpu.vector_load %arg6[%get3A_175, %get3A_176] {strides = array<i32>} : memref<144x192xf32, #tpu.memory_space<vmem>>, vector<1x16xf32>,
      %get3A_178 = vector.shape_cast %get3A_177 : vector<1x16xf32> to vector<16xf32>
      %sub3A_179 = arith.subf %get3A_174, %get3A_178 : vector<16xf32>
      %abs3A_180 = math.absf %sub3A_179 : vector<16xf32>
      %swap3A_181 = arith.index_cast %scan3A_53 : i32 to index
      %swap3A_182 = arith.constant 128 : index
      %swap3A_183 = tpu.vector_load %arg7[%swap3A_181, %swap3A_182] {strides = array<i32>} : memref<144x192xf32, #tpu.memory_space<vmem>>, vector<1x16xf32>,
      %swap3A_184 = vector.shape_cast %swap3A_183 : vector<1x16xf32> to vector<16xf32>
      %swap3A_185 = vector.shape_cast %abs3A_180 : vector<16xf32> to vector<1x16xf32>
      tpu.vector_store %arg7[%swap3A_181, %swap3A_182], %swap3A_185 {strides = array<i32>} : memref<144x192xf32, #tpu.memory_space<vmem>>, vector<1x16xf32>,
      %get3A_186 = arith.index_cast %scan3A_53 : i32 to index
      %get3A_187 = arith.constant 144 : index
      %get3A_188 = tpu.vector_load %arg5[%get3A_186, %get3A_187] {strides = array<i32>} : memref<144x192xf32, #tpu.memory_space<vmem>>, vector<1x16xf32>,
      %get3A_189 = vector.shape_cast %get3A_188 : vector<1x16xf32> to vector<16xf32>
      %get3A_190 = arith.index_cast %scan3A_53 : i32 to index
      %get3A_191 = arith.constant 144 : index
      %get3A_192 = tpu.vector_load %arg6[%get3A_190, %get3A_191] {strides = array<i32>} : memref<144x192xf32, #tpu.memory_space<vmem>>, vector<1x16xf32>,
      %get3A_193 = vector.shape_cast %get3A_192 : vector<1x16xf32> to vector<16xf32>
      %sub3A_194 = arith.subf %get3A_189, %get3A_193 : vector<16xf32>
      %abs3A_195 = math.absf %sub3A_194 : vector<16xf32>
      %swap3A_196 = arith.index_cast %scan3A_53 : i32 to index
      %swap3A_197 = arith.constant 144 : index
      %swap3A_198 = tpu.vector_load %arg7[%swap3A_196, %swap3A_197] {strides = array<i32>} : memref<144x192xf32, #tpu.memory_space<vmem>>, vector<1x16xf32>,
      %swap3A_199 = vector.shape_cast %swap3A_198 : vector<1x16xf32> to vector<16xf32>
      %swap3A_200 = vector.shape_cast %abs3A_195 : vector<16xf32> to vector<1x16xf32>
      tpu.vector_store %arg7[%swap3A_196, %swap3A_197], %swap3A_200 {strides = array<i32>} : memref<144x192xf32, #tpu.memory_space<vmem>>, vector<1x16xf32>,
      %get3A_201 = arith.index_cast %scan3A_53 : i32 to index
      %get3A_202 = arith.constant 160 : index
      %get3A_203 = tpu.vector_load %arg5[%get3A_201, %get3A_202] {strides = array<i32>} : memref<144x192xf32, #tpu.memory_space<vmem>>, vector<1x16xf32>,
      %get3A_204 = vector.shape_cast %get3A_203 : vector<1x16xf32> to vector<16xf32>
      %get3A_205 = arith.index_cast %scan3A_53 : i32 to index
      %get3A_206 = arith.constant 160 : index
      %get3A_207 = tpu.vector_load %arg6[%get3A_205, %get3A_206] {strides = array<i32>} : memref<144x192xf32, #tpu.memory_space<vmem>>, vector<1x16xf32>,
      %get3A_208 = vector.shape_cast %get3A_207 : vector<1x16xf32> to vector<16xf32>
      %sub3A_209 = arith.subf %get3A_204, %get3A_208 : vector<16xf32>
      %abs3A_210 = math.absf %sub3A_209 : vector<16xf32>
      %swap3A_211 = arith.index_cast %scan3A_53 : i32 to index
      %swap3A_212 = arith.constant 160 : index
      %swap3A_213 = tpu.vector_load %arg7[%swap3A_211, %swap3A_212] {strides = array<i32>} : memref<144x192xf32, #tpu.memory_space<vmem>>, vector<1x16xf32>,
      %swap3A_214 = vector.shape_cast %swap3A_213 : vector<1x16xf32> to vector<16xf32>
      %swap3A_215 = vector.shape_cast %abs3A_210 : vector<16xf32> to vector<1x16xf32>
      tpu.vector_store %arg7[%swap3A_211, %swap3A_212], %swap3A_215 {strides = array<i32>} : memref<144x192xf32, #tpu.memory_space<vmem>>, vector<1x16xf32>,
      %get3A_216 = arith.index_cast %scan3A_53 : i32 to index
      %get3A_217 = arith.constant 176 : index
      %get3A_218 = tpu.vector_load %arg5[%get3A_216, %get3A_217] {strides = array<i32>} : memref<144x192xf32, #tpu.memory_space<vmem>>, vector<1x16xf32>,
      %get3A_219 = vector.shape_cast %get3A_218 : vector<1x16xf32> to vector<16xf32>
      %get3A_220 = arith.index_cast %scan3A_53 : i32 to index
      %get3A_221 = arith.constant 176 : index
      %get3A_222 = tpu.vector_load %arg6[%get3A_220, %get3A_221] {strides = array<i32>} : memref<144x192xf32, #tpu.memory_space<vmem>>, vector<1x16xf32>,
      %get3A_223 = vector.shape_cast %get3A_222 : vector<1x16xf32> to vector<16xf32>
      %sub3A_224 = arith.subf %get3A_219, %get3A_223 : vector<16xf32>
      %abs3A_225 = math.absf %sub3A_224 : vector<16xf32>
      %swap3A_226 = arith.index_cast %scan3A_53 : i32 to index
      %swap3A_227 = arith.constant 176 : index
      %swap3A_228 = tpu.vector_load %arg7[%swap3A_226, %swap3A_227] {strides = array<i32>} : memref<144x192xf32, #tpu.memory_space<vmem>>, vector<1x16xf32>,
      %swap3A_229 = vector.shape_cast %swap3A_228 : vector<1x16xf32> to vector<16xf32>
      %swap3A_230 = vector.shape_cast %abs3A_225 : vector<16xf32> to vector<1x16xf32>
      tpu.vector_store %arg7[%swap3A_226, %swap3A_227], %swap3A_230 {strides = array<i32>} : memref<144x192xf32, #tpu.memory_space<vmem>>, vector<1x16xf32>,
    }
    %scan3A_33 = arith.constant 144 : i32
    %mul3A_34 = arith.constant 4 : i32
    %mul3A_35 = arith.muli %select_n3A, %mul3A_34 : i32
    %add3A_36 = arith.constant 3 : i32
    %add3A_37 = arith.addi %mul3A_35, %add3A_36 : i32
    %mul3A_38 = arith.constant 576 : i32
    %mul3A_39 = arith.muli %add3A_37, %mul3A_38 : i32
    %mul3A_40 = arith.constant 144 : i32
    %mul3A_41 = arith.muli %sub3A_19, %mul3A_40 : i32
    %add3A_42 = arith.addi %mul3A_39, %mul3A_41 : i32
    %multiple_of3A_43 = tpu.assume_multiple %add3A_42, 144 : i32
    "tpu.region"() ({
      %run_scoped3A = tpu.sem_alloc : memref<!tpu.dma_semaphore, #tpu.memory_space<semaphore_mem>>
      %dma_start3A = arith.constant 0 : i32
      %dma_start3A_53 = tpu.memref_slice %arg2[%multiple_of3A_43, %dma_start3A] : memref<18432x192xf32, #tpu.memory_space<hbm>> -> memref<144x192xf32, #tpu.memory_space<hbm>>
      %dma_start3A_54 = arith.constant 0 : i32
      %dma_start3A_55 = tpu.memref_slice %arg2[%multiple_of3A_43, %dma_start3A_54] : memref<18432x192xf32, #tpu.memory_space<hbm>> -> memref<144x192xf32, #tpu.memory_space<hbm>>
      tpu.enqueue_dma source(%dma_start3A_55 : memref<144x192xf32, #tpu.memory_space<hbm>>) target(%arg5 : memref<144x192xf32, #tpu.memory_space<vmem>>) target_semaphore(%run_scoped3A : memref<!tpu.dma_semaphore, #tpu.memory_space<semaphore_mem>>)
      %dma_wait3A = arith.constant 0 : i32
      %dma_wait3A_56 = tpu.memref_slice %arg2[%multiple_of3A_43, %dma_wait3A] : memref<18432x192xf32, #tpu.memory_space<hbm>> -> memref<144x192xf32, #tpu.memory_space<hbm>>
      %dma_wait3A_57 = arith.constant 0 : i32
      %dma_wait3A_58 = tpu.memref_slice %arg2[%multiple_of3A_43, %dma_wait3A_57] : memref<18432x192xf32, #tpu.memory_space<hbm>> -> memref<144x192xf32, #tpu.memory_space<hbm>>
      tpu.wait_dma2 semaphore(%run_scoped3A : memref<!tpu.dma_semaphore, #tpu.memory_space<semaphore_mem>>) src(%dma_wait3A_58 : memref<144x192xf32, #tpu.memory_space<hbm>>) dst(%arg5 : memref<144x192xf32, #tpu.memory_space<vmem>>)
      tpu.yield
    }) : () -> ()
    "tpu.region"() ({
      %run_scoped3A = tpu.sem_alloc : memref<!tpu.dma_semaphore, #tpu.memory_space<semaphore_mem>>
      %dma_start3A = arith.constant 0 : i32
      %dma_start3A_53 = tpu.memref_slice %arg3[%multiple_of3A_43, %dma_start3A] : memref<18432x192xf32, #tpu.memory_space<hbm>> -> memref<144x192xf32, #tpu.memory_space<hbm>>
      %dma_start3A_54 = arith.constant 0 : i32
      %dma_start3A_55 = tpu.memref_slice %arg3[%multiple_of3A_43, %dma_start3A_54] : memref<18432x192xf32, #tpu.memory_space<hbm>> -> memref<144x192xf32, #tpu.memory_space<hbm>>
      tpu.enqueue_dma source(%dma_start3A_55 : memref<144x192xf32, #tpu.memory_space<hbm>>) target(%arg6 : memref<144x192xf32, #tpu.memory_space<vmem>>) target_semaphore(%run_scoped3A : memref<!tpu.dma_semaphore, #tpu.memory_space<semaphore_mem>>)
      %dma_wait3A = arith.constant 0 : i32
      %dma_wait3A_56 = tpu.memref_slice %arg3[%multiple_of3A_43, %dma_wait3A] : memref<18432x192xf32, #tpu.memory_space<hbm>> -> memref<144x192xf32, #tpu.memory_space<hbm>>
      %dma_wait3A_57 = arith.constant 0 : i32
      %dma_wait3A_58 = tpu.memref_slice %arg3[%multiple_of3A_43, %dma_wait3A_57] : memref<18432x192xf32, #tpu.memory_space<hbm>> -> memref<144x192xf32, #tpu.memory_space<hbm>>
      tpu.wait_dma2 semaphore(%run_scoped3A : memref<!tpu.dma_semaphore, #tpu.memory_space<semaphore_mem>>) src(%dma_wait3A_58 : memref<144x192xf32, #tpu.memory_space<hbm>>) dst(%arg6 : memref<144x192xf32, #tpu.memory_space<vmem>>)
      tpu.yield
    }) : () -> ()
    %scan3A_44 = arith.constant 0 : i32
    %scan3A_45 = arith.constant 0 : i32
    %scan3A_46 = arith.constant 144 : i32
    %scan3A_47 = arith.addi %scan3A_45, %scan3A_46 : i32
    %scan3A_48 = arith.constant 1 : i32
    scf.for %scan3A_53 = %scan3A_45 to %scan3A_47 step %scan3A_48  : i32 {
      %get3A = arith.index_cast %scan3A_53 : i32 to index
      %get3A_54 = arith.constant 0 : index
      %get3A_55 = tpu.vector_load %arg5[%get3A, %get3A_54] {strides = array<i32>} : memref<144x192xf32, #tpu.memory_space<vmem>>, vector<1x16xf32>,
      %get3A_56 = vector.shape_cast %get3A_55 : vector<1x16xf32> to vector<16xf32>
      %get3A_57 = arith.index_cast %scan3A_53 : i32 to index
      %get3A_58 = arith.constant 0 : index
      %get3A_59 = tpu.vector_load %arg6[%get3A_57, %get3A_58] {strides = array<i32>} : memref<144x192xf32, #tpu.memory_space<vmem>>, vector<1x16xf32>,
      %get3A_60 = vector.shape_cast %get3A_59 : vector<1x16xf32> to vector<16xf32>
      %sub3A_61 = arith.subf %get3A_56, %get3A_60 : vector<16xf32>
      %abs3A = math.absf %sub3A_61 : vector<16xf32>
      %get3A_62 = arith.index_cast %scan3A_53 : i32 to index
      %get3A_63 = arith.constant 0 : index
      %get3A_64 = tpu.vector_load %arg7[%get3A_62, %get3A_63] {strides = array<i32>} : memref<144x192xf32, #tpu.memory_space<vmem>>, vector<1x16xf32>,
      %get3A_65 = vector.shape_cast %get3A_64 : vector<1x16xf32> to vector<16xf32>
      %add3A_66 = arith.addf %get3A_65, %abs3A : vector<16xf32>
      %swap3A = arith.index_cast %scan3A_53 : i32 to index
      %swap3A_67 = arith.constant 0 : index
      %swap3A_68 = tpu.vector_load %arg7[%swap3A, %swap3A_67] {strides = array<i32>} : memref<144x192xf32, #tpu.memory_space<vmem>>, vector<1x16xf32>,
      %swap3A_69 = vector.shape_cast %swap3A_68 : vector<1x16xf32> to vector<16xf32>
      %swap3A_70 = vector.shape_cast %add3A_66 : vector<16xf32> to vector<1x16xf32>
      tpu.vector_store %arg7[%swap3A, %swap3A_67], %swap3A_70 {strides = array<i32>} : memref<144x192xf32, #tpu.memory_space<vmem>>, vector<1x16xf32>,
      %get3A_71 = arith.index_cast %scan3A_53 : i32 to index
      %get3A_72 = arith.constant 16 : index
      %get3A_73 = tpu.vector_load %arg5[%get3A_71, %get3A_72] {strides = array<i32>} : memref<144x192xf32, #tpu.memory_space<vmem>>, vector<1x16xf32>,
      %get3A_74 = vector.shape_cast %get3A_73 : vector<1x16xf32> to vector<16xf32>
      %get3A_75 = arith.index_cast %scan3A_53 : i32 to index
      %get3A_76 = arith.constant 16 : index
      %get3A_77 = tpu.vector_load %arg6[%get3A_75, %get3A_76] {strides = array<i32>} : memref<144x192xf32, #tpu.memory_space<vmem>>, vector<1x16xf32>,
      %get3A_78 = vector.shape_cast %get3A_77 : vector<1x16xf32> to vector<16xf32>
      %sub3A_79 = arith.subf %get3A_74, %get3A_78 : vector<16xf32>
      %abs3A_80 = math.absf %sub3A_79 : vector<16xf32>
      %get3A_81 = arith.index_cast %scan3A_53 : i32 to index
      %get3A_82 = arith.constant 16 : index
      %get3A_83 = tpu.vector_load %arg7[%get3A_81, %get3A_82] {strides = array<i32>} : memref<144x192xf32, #tpu.memory_space<vmem>>, vector<1x16xf32>,
      %get3A_84 = vector.shape_cast %get3A_83 : vector<1x16xf32> to vector<16xf32>
      %add3A_85 = arith.addf %get3A_84, %abs3A_80 : vector<16xf32>
      %swap3A_86 = arith.index_cast %scan3A_53 : i32 to index
      %swap3A_87 = arith.constant 16 : index
      %swap3A_88 = tpu.vector_load %arg7[%swap3A_86, %swap3A_87] {strides = array<i32>} : memref<144x192xf32, #tpu.memory_space<vmem>>, vector<1x16xf32>,
      %swap3A_89 = vector.shape_cast %swap3A_88 : vector<1x16xf32> to vector<16xf32>
      %swap3A_90 = vector.shape_cast %add3A_85 : vector<16xf32> to vector<1x16xf32>
      tpu.vector_store %arg7[%swap3A_86, %swap3A_87], %swap3A_90 {strides = array<i32>} : memref<144x192xf32, #tpu.memory_space<vmem>>, vector<1x16xf32>,
      %get3A_91 = arith.index_cast %scan3A_53 : i32 to index
      %get3A_92 = arith.constant 32 : index
      %get3A_93 = tpu.vector_load %arg5[%get3A_91, %get3A_92] {strides = array<i32>} : memref<144x192xf32, #tpu.memory_space<vmem>>, vector<1x16xf32>,
      %get3A_94 = vector.shape_cast %get3A_93 : vector<1x16xf32> to vector<16xf32>
      %get3A_95 = arith.index_cast %scan3A_53 : i32 to index
      %get3A_96 = arith.constant 32 : index
      %get3A_97 = tpu.vector_load %arg6[%get3A_95, %get3A_96] {strides = array<i32>} : memref<144x192xf32, #tpu.memory_space<vmem>>, vector<1x16xf32>,
      %get3A_98 = vector.shape_cast %get3A_97 : vector<1x16xf32> to vector<16xf32>
      %sub3A_99 = arith.subf %get3A_94, %get3A_98 : vector<16xf32>
      %abs3A_100 = math.absf %sub3A_99 : vector<16xf32>
      %get3A_101 = arith.index_cast %scan3A_53 : i32 to index
      %get3A_102 = arith.constant 32 : index
      %get3A_103 = tpu.vector_load %arg7[%get3A_101, %get3A_102] {strides = array<i32>} : memref<144x192xf32, #tpu.memory_space<vmem>>, vector<1x16xf32>,
      %get3A_104 = vector.shape_cast %get3A_103 : vector<1x16xf32> to vector<16xf32>
      %add3A_105 = arith.addf %get3A_104, %abs3A_100 : vector<16xf32>
      %swap3A_106 = arith.index_cast %scan3A_53 : i32 to index
      %swap3A_107 = arith.constant 32 : index
      %swap3A_108 = tpu.vector_load %arg7[%swap3A_106, %swap3A_107] {strides = array<i32>} : memref<144x192xf32, #tpu.memory_space<vmem>>, vector<1x16xf32>,
      %swap3A_109 = vector.shape_cast %swap3A_108 : vector<1x16xf32> to vector<16xf32>
      %swap3A_110 = vector.shape_cast %add3A_105 : vector<16xf32> to vector<1x16xf32>
      tpu.vector_store %arg7[%swap3A_106, %swap3A_107], %swap3A_110 {strides = array<i32>} : memref<144x192xf32, #tpu.memory_space<vmem>>, vector<1x16xf32>,
      %get3A_111 = arith.index_cast %scan3A_53 : i32 to index
      %get3A_112 = arith.constant 48 : index
      %get3A_113 = tpu.vector_load %arg5[%get3A_111, %get3A_112] {strides = array<i32>} : memref<144x192xf32, #tpu.memory_space<vmem>>, vector<1x16xf32>,
      %get3A_114 = vector.shape_cast %get3A_113 : vector<1x16xf32> to vector<16xf32>
      %get3A_115 = arith.index_cast %scan3A_53 : i32 to index
      %get3A_116 = arith.constant 48 : index
      %get3A_117 = tpu.vector_load %arg6[%get3A_115, %get3A_116] {strides = array<i32>} : memref<144x192xf32, #tpu.memory_space<vmem>>, vector<1x16xf32>,
      %get3A_118 = vector.shape_cast %get3A_117 : vector<1x16xf32> to vector<16xf32>
      %sub3A_119 = arith.subf %get3A_114, %get3A_118 : vector<16xf32>
      %abs3A_120 = math.absf %sub3A_119 : vector<16xf32>
      %get3A_121 = arith.index_cast %scan3A_53 : i32 to index
      %get3A_122 = arith.constant 48 : index
      %get3A_123 = tpu.vector_load %arg7[%get3A_121, %get3A_122] {strides = array<i32>} : memref<144x192xf32, #tpu.memory_space<vmem>>, vector<1x16xf32>,
      %get3A_124 = vector.shape_cast %get3A_123 : vector<1x16xf32> to vector<16xf32>
      %add3A_125 = arith.addf %get3A_124, %abs3A_120 : vector<16xf32>
      %swap3A_126 = arith.index_cast %scan3A_53 : i32 to index
      %swap3A_127 = arith.constant 48 : index
      %swap3A_128 = tpu.vector_load %arg7[%swap3A_126, %swap3A_127] {strides = array<i32>} : memref<144x192xf32, #tpu.memory_space<vmem>>, vector<1x16xf32>,
      %swap3A_129 = vector.shape_cast %swap3A_128 : vector<1x16xf32> to vector<16xf32>
      %swap3A_130 = vector.shape_cast %add3A_125 : vector<16xf32> to vector<1x16xf32>
      tpu.vector_store %arg7[%swap3A_126, %swap3A_127], %swap3A_130 {strides = array<i32>} : memref<144x192xf32, #tpu.memory_space<vmem>>, vector<1x16xf32>,
      %get3A_131 = arith.index_cast %scan3A_53 : i32 to index
      %get3A_132 = arith.constant 64 : index
      %get3A_133 = tpu.vector_load %arg5[%get3A_131, %get3A_132] {strides = array<i32>} : memref<144x192xf32, #tpu.memory_space<vmem>>, vector<1x16xf32>,
      %get3A_134 = vector.shape_cast %get3A_133 : vector<1x16xf32> to vector<16xf32>
      %get3A_135 = arith.index_cast %scan3A_53 : i32 to index
      %get3A_136 = arith.constant 64 : index
      %get3A_137 = tpu.vector_load %arg6[%get3A_135, %get3A_136] {strides = array<i32>} : memref<144x192xf32, #tpu.memory_space<vmem>>, vector<1x16xf32>,
      %get3A_138 = vector.shape_cast %get3A_137 : vector<1x16xf32> to vector<16xf32>
      %sub3A_139 = arith.subf %get3A_134, %get3A_138 : vector<16xf32>
      %abs3A_140 = math.absf %sub3A_139 : vector<16xf32>
      %get3A_141 = arith.index_cast %scan3A_53 : i32 to index
      %get3A_142 = arith.constant 64 : index
      %get3A_143 = tpu.vector_load %arg7[%get3A_141, %get3A_142] {strides = array<i32>} : memref<144x192xf32, #tpu.memory_space<vmem>>, vector<1x16xf32>,
      %get3A_144 = vector.shape_cast %get3A_143 : vector<1x16xf32> to vector<16xf32>
      %add3A_145 = arith.addf %get3A_144, %abs3A_140 : vector<16xf32>
      %swap3A_146 = arith.index_cast %scan3A_53 : i32 to index
      %swap3A_147 = arith.constant 64 : index
      %swap3A_148 = tpu.vector_load %arg7[%swap3A_146, %swap3A_147] {strides = array<i32>} : memref<144x192xf32, #tpu.memory_space<vmem>>, vector<1x16xf32>,
      %swap3A_149 = vector.shape_cast %swap3A_148 : vector<1x16xf32> to vector<16xf32>
      %swap3A_150 = vector.shape_cast %add3A_145 : vector<16xf32> to vector<1x16xf32>
      tpu.vector_store %arg7[%swap3A_146, %swap3A_147], %swap3A_150 {strides = array<i32>} : memref<144x192xf32, #tpu.memory_space<vmem>>, vector<1x16xf32>,
      %get3A_151 = arith.index_cast %scan3A_53 : i32 to index
      %get3A_152 = arith.constant 80 : index
      %get3A_153 = tpu.vector_load %arg5[%get3A_151, %get3A_152] {strides = array<i32>} : memref<144x192xf32, #tpu.memory_space<vmem>>, vector<1x16xf32>,
      %get3A_154 = vector.shape_cast %get3A_153 : vector<1x16xf32> to vector<16xf32>
      %get3A_155 = arith.index_cast %scan3A_53 : i32 to index
      %get3A_156 = arith.constant 80 : index
      %get3A_157 = tpu.vector_load %arg6[%get3A_155, %get3A_156] {strides = array<i32>} : memref<144x192xf32, #tpu.memory_space<vmem>>, vector<1x16xf32>,
      %get3A_158 = vector.shape_cast %get3A_157 : vector<1x16xf32> to vector<16xf32>
      %sub3A_159 = arith.subf %get3A_154, %get3A_158 : vector<16xf32>
      %abs3A_160 = math.absf %sub3A_159 : vector<16xf32>
      %get3A_161 = arith.index_cast %scan3A_53 : i32 to index
      %get3A_162 = arith.constant 80 : index
      %get3A_163 = tpu.vector_load %arg7[%get3A_161, %get3A_162] {strides = array<i32>} : memref<144x192xf32, #tpu.memory_space<vmem>>, vector<1x16xf32>,
      %get3A_164 = vector.shape_cast %get3A_163 : vector<1x16xf32> to vector<16xf32>
      %add3A_165 = arith.addf %get3A_164, %abs3A_160 : vector<16xf32>
      %swap3A_166 = arith.index_cast %scan3A_53 : i32 to index
      %swap3A_167 = arith.constant 80 : index
      %swap3A_168 = tpu.vector_load %arg7[%swap3A_166, %swap3A_167] {strides = array<i32>} : memref<144x192xf32, #tpu.memory_space<vmem>>, vector<1x16xf32>,
      %swap3A_169 = vector.shape_cast %swap3A_168 : vector<1x16xf32> to vector<16xf32>
      %swap3A_170 = vector.shape_cast %add3A_165 : vector<16xf32> to vector<1x16xf32>
      tpu.vector_store %arg7[%swap3A_166, %swap3A_167], %swap3A_170 {strides = array<i32>} : memref<144x192xf32, #tpu.memory_space<vmem>>, vector<1x16xf32>,
      %get3A_171 = arith.index_cast %scan3A_53 : i32 to index
      %get3A_172 = arith.constant 96 : index
      %get3A_173 = tpu.vector_load %arg5[%get3A_171, %get3A_172] {strides = array<i32>} : memref<144x192xf32, #tpu.memory_space<vmem>>, vector<1x16xf32>,
      %get3A_174 = vector.shape_cast %get3A_173 : vector<1x16xf32> to vector<16xf32>
      %get3A_175 = arith.index_cast %scan3A_53 : i32 to index
      %get3A_176 = arith.constant 96 : index
      %get3A_177 = tpu.vector_load %arg6[%get3A_175, %get3A_176] {strides = array<i32>} : memref<144x192xf32, #tpu.memory_space<vmem>>, vector<1x16xf32>,
      %get3A_178 = vector.shape_cast %get3A_177 : vector<1x16xf32> to vector<16xf32>
      %sub3A_179 = arith.subf %get3A_174, %get3A_178 : vector<16xf32>
      %abs3A_180 = math.absf %sub3A_179 : vector<16xf32>
      %get3A_181 = arith.index_cast %scan3A_53 : i32 to index
      %get3A_182 = arith.constant 96 : index
      %get3A_183 = tpu.vector_load %arg7[%get3A_181, %get3A_182] {strides = array<i32>} : memref<144x192xf32, #tpu.memory_space<vmem>>, vector<1x16xf32>,
      %get3A_184 = vector.shape_cast %get3A_183 : vector<1x16xf32> to vector<16xf32>
      %add3A_185 = arith.addf %get3A_184, %abs3A_180 : vector<16xf32>
      %swap3A_186 = arith.index_cast %scan3A_53 : i32 to index
      %swap3A_187 = arith.constant 96 : index
      %swap3A_188 = tpu.vector_load %arg7[%swap3A_186, %swap3A_187] {strides = array<i32>} : memref<144x192xf32, #tpu.memory_space<vmem>>, vector<1x16xf32>,
      %swap3A_189 = vector.shape_cast %swap3A_188 : vector<1x16xf32> to vector<16xf32>
      %swap3A_190 = vector.shape_cast %add3A_185 : vector<16xf32> to vector<1x16xf32>
      tpu.vector_store %arg7[%swap3A_186, %swap3A_187], %swap3A_190 {strides = array<i32>} : memref<144x192xf32, #tpu.memory_space<vmem>>, vector<1x16xf32>,
      %get3A_191 = arith.index_cast %scan3A_53 : i32 to index
      %get3A_192 = arith.constant 112 : index
      %get3A_193 = tpu.vector_load %arg5[%get3A_191, %get3A_192] {strides = array<i32>} : memref<144x192xf32, #tpu.memory_space<vmem>>, vector<1x16xf32>,
      %get3A_194 = vector.shape_cast %get3A_193 : vector<1x16xf32> to vector<16xf32>
      %get3A_195 = arith.index_cast %scan3A_53 : i32 to index
      %get3A_196 = arith.constant 112 : index
      %get3A_197 = tpu.vector_load %arg6[%get3A_195, %get3A_196] {strides = array<i32>} : memref<144x192xf32, #tpu.memory_space<vmem>>, vector<1x16xf32>,
      %get3A_198 = vector.shape_cast %get3A_197 : vector<1x16xf32> to vector<16xf32>
      %sub3A_199 = arith.subf %get3A_194, %get3A_198 : vector<16xf32>
      %abs3A_200 = math.absf %sub3A_199 : vector<16xf32>
      %get3A_201 = arith.index_cast %scan3A_53 : i32 to index
      %get3A_202 = arith.constant 112 : index
      %get3A_203 = tpu.vector_load %arg7[%get3A_201, %get3A_202] {strides = array<i32>} : memref<144x192xf32, #tpu.memory_space<vmem>>, vector<1x16xf32>,
      %get3A_204 = vector.shape_cast %get3A_203 : vector<1x16xf32> to vector<16xf32>
      %add3A_205 = arith.addf %get3A_204, %abs3A_200 : vector<16xf32>
      %swap3A_206 = arith.index_cast %scan3A_53 : i32 to index
      %swap3A_207 = arith.constant 112 : index
      %swap3A_208 = tpu.vector_load %arg7[%swap3A_206, %swap3A_207] {strides = array<i32>} : memref<144x192xf32, #tpu.memory_space<vmem>>, vector<1x16xf32>,
      %swap3A_209 = vector.shape_cast %swap3A_208 : vector<1x16xf32> to vector<16xf32>
      %swap3A_210 = vector.shape_cast %add3A_205 : vector<16xf32> to vector<1x16xf32>
      tpu.vector_store %arg7[%swap3A_206, %swap3A_207], %swap3A_210 {strides = array<i32>} : memref<144x192xf32, #tpu.memory_space<vmem>>, vector<1x16xf32>,
      %get3A_211 = arith.index_cast %scan3A_53 : i32 to index
      %get3A_212 = arith.constant 128 : index
      %get3A_213 = tpu.vector_load %arg5[%get3A_211, %get3A_212] {strides = array<i32>} : memref<144x192xf32, #tpu.memory_space<vmem>>, vector<1x16xf32>,
      %get3A_214 = vector.shape_cast %get3A_213 : vector<1x16xf32> to vector<16xf32>
      %get3A_215 = arith.index_cast %scan3A_53 : i32 to index
      %get3A_216 = arith.constant 128 : index
      %get3A_217 = tpu.vector_load %arg6[%get3A_215, %get3A_216] {strides = array<i32>} : memref<144x192xf32, #tpu.memory_space<vmem>>, vector<1x16xf32>,
      %get3A_218 = vector.shape_cast %get3A_217 : vector<1x16xf32> to vector<16xf32>
      %sub3A_219 = arith.subf %get3A_214, %get3A_218 : vector<16xf32>
      %abs3A_220 = math.absf %sub3A_219 : vector<16xf32>
      %get3A_221 = arith.index_cast %scan3A_53 : i32 to index
      %get3A_222 = arith.constant 128 : index
      %get3A_223 = tpu.vector_load %arg7[%get3A_221, %get3A_222] {strides = array<i32>} : memref<144x192xf32, #tpu.memory_space<vmem>>, vector<1x16xf32>,
      %get3A_224 = vector.shape_cast %get3A_223 : vector<1x16xf32> to vector<16xf32>
      %add3A_225 = arith.addf %get3A_224, %abs3A_220 : vector<16xf32>
      %swap3A_226 = arith.index_cast %scan3A_53 : i32 to index
      %swap3A_227 = arith.constant 128 : index
      %swap3A_228 = tpu.vector_load %arg7[%swap3A_226, %swap3A_227] {strides = array<i32>} : memref<144x192xf32, #tpu.memory_space<vmem>>, vector<1x16xf32>,
      %swap3A_229 = vector.shape_cast %swap3A_228 : vector<1x16xf32> to vector<16xf32>
      %swap3A_230 = vector.shape_cast %add3A_225 : vector<16xf32> to vector<1x16xf32>
      tpu.vector_store %arg7[%swap3A_226, %swap3A_227], %swap3A_230 {strides = array<i32>} : memref<144x192xf32, #tpu.memory_space<vmem>>, vector<1x16xf32>,
      %get3A_231 = arith.index_cast %scan3A_53 : i32 to index
      %get3A_232 = arith.constant 144 : index
      %get3A_233 = tpu.vector_load %arg5[%get3A_231, %get3A_232] {strides = array<i32>} : memref<144x192xf32, #tpu.memory_space<vmem>>, vector<1x16xf32>,
      %get3A_234 = vector.shape_cast %get3A_233 : vector<1x16xf32> to vector<16xf32>
      %get3A_235 = arith.index_cast %scan3A_53 : i32 to index
      %get3A_236 = arith.constant 144 : index
      %get3A_237 = tpu.vector_load %arg6[%get3A_235, %get3A_236] {strides = array<i32>} : memref<144x192xf32, #tpu.memory_space<vmem>>, vector<1x16xf32>,
      %get3A_238 = vector.shape_cast %get3A_237 : vector<1x16xf32> to vector<16xf32>
      %sub3A_239 = arith.subf %get3A_234, %get3A_238 : vector<16xf32>
      %abs3A_240 = math.absf %sub3A_239 : vector<16xf32>
      %get3A_241 = arith.index_cast %scan3A_53 : i32 to index
      %get3A_242 = arith.constant 144 : index
      %get3A_243 = tpu.vector_load %arg7[%get3A_241, %get3A_242] {strides = array<i32>} : memref<144x192xf32, #tpu.memory_space<vmem>>, vector<1x16xf32>,
      %get3A_244 = vector.shape_cast %get3A_243 : vector<1x16xf32> to vector<16xf32>
      %add3A_245 = arith.addf %get3A_244, %abs3A_240 : vector<16xf32>
      %swap3A_246 = arith.index_cast %scan3A_53 : i32 to index
      %swap3A_247 = arith.constant 144 : index
      %swap3A_248 = tpu.vector_load %arg7[%swap3A_246, %swap3A_247] {strides = array<i32>} : memref<144x192xf32, #tpu.memory_space<vmem>>, vector<1x16xf32>,
      %swap3A_249 = vector.shape_cast %swap3A_248 : vector<1x16xf32> to vector<16xf32>
      %swap3A_250 = vector.shape_cast %add3A_245 : vector<16xf32> to vector<1x16xf32>
      tpu.vector_store %arg7[%swap3A_246, %swap3A_247], %swap3A_250 {strides = array<i32>} : memref<144x192xf32, #tpu.memory_space<vmem>>, vector<1x16xf32>,
      %get3A_251 = arith.index_cast %scan3A_53 : i32 to index
      %get3A_252 = arith.constant 160 : index
      %get3A_253 = tpu.vector_load %arg5[%get3A_251, %get3A_252] {strides = array<i32>} : memref<144x192xf32, #tpu.memory_space<vmem>>, vector<1x16xf32>,
      %get3A_254 = vector.shape_cast %get3A_253 : vector<1x16xf32> to vector<16xf32>
      %get3A_255 = arith.index_cast %scan3A_53 : i32 to index
      %get3A_256 = arith.constant 160 : index
      %get3A_257 = tpu.vector_load %arg6[%get3A_255, %get3A_256] {strides = array<i32>} : memref<144x192xf32, #tpu.memory_space<vmem>>, vector<1x16xf32>,
      %get3A_258 = vector.shape_cast %get3A_257 : vector<1x16xf32> to vector<16xf32>
      %sub3A_259 = arith.subf %get3A_254, %get3A_258 : vector<16xf32>
      %abs3A_260 = math.absf %sub3A_259 : vector<16xf32>
      %get3A_261 = arith.index_cast %scan3A_53 : i32 to index
      %get3A_262 = arith.constant 160 : index
      %get3A_263 = tpu.vector_load %arg7[%get3A_261, %get3A_262] {strides = array<i32>} : memref<144x192xf32, #tpu.memory_space<vmem>>, vector<1x16xf32>,
      %get3A_264 = vector.shape_cast %get3A_263 : vector<1x16xf32> to vector<16xf32>
      %add3A_265 = arith.addf %get3A_264, %abs3A_260 : vector<16xf32>
      %swap3A_266 = arith.index_cast %scan3A_53 : i32 to index
      %swap3A_267 = arith.constant 160 : index
      %swap3A_268 = tpu.vector_load %arg7[%swap3A_266, %swap3A_267] {strides = array<i32>} : memref<144x192xf32, #tpu.memory_space<vmem>>, vector<1x16xf32>,
      %swap3A_269 = vector.shape_cast %swap3A_268 : vector<1x16xf32> to vector<16xf32>
      %swap3A_270 = vector.shape_cast %add3A_265 : vector<16xf32> to vector<1x16xf32>
      tpu.vector_store %arg7[%swap3A_266, %swap3A_267], %swap3A_270 {strides = array<i32>} : memref<144x192xf32, #tpu.memory_space<vmem>>, vector<1x16xf32>,
      %get3A_271 = arith.index_cast %scan3A_53 : i32 to index
      %get3A_272 = arith.constant 176 : index
      %get3A_273 = tpu.vector_load %arg5[%get3A_271, %get3A_272] {strides = array<i32>} : memref<144x192xf32, #tpu.memory_space<vmem>>, vector<1x16xf32>,
      %get3A_274 = vector.shape_cast %get3A_273 : vector<1x16xf32> to vector<16xf32>
      %get3A_275 = arith.index_cast %scan3A_53 : i32 to index
      %get3A_276 = arith.constant 176 : index
      %get3A_277 = tpu.vector_load %arg6[%get3A_275, %get3A_276] {strides = array<i32>} : memref<144x192xf32, #tpu.memory_space<vmem>>, vector<1x16xf32>,
      %get3A_278 = vector.shape_cast %get3A_277 : vector<1x16xf32> to vector<16xf32>
      %sub3A_279 = arith.subf %get3A_274, %get3A_278 : vector<16xf32>
      %abs3A_280 = math.absf %sub3A_279 : vector<16xf32>
      %get3A_281 = arith.index_cast %scan3A_53 : i32 to index
      %get3A_282 = arith.constant 176 : index
      %get3A_283 = tpu.vector_load %arg7[%get3A_281, %get3A_282] {strides = array<i32>} : memref<144x192xf32, #tpu.memory_space<vmem>>, vector<1x16xf32>,
      %get3A_284 = vector.shape_cast %get3A_283 : vector<1x16xf32> to vector<16xf32>
      %add3A_285 = arith.addf %get3A_284, %abs3A_280 : vector<16xf32>
      %swap3A_286 = arith.index_cast %scan3A_53 : i32 to index
      %swap3A_287 = arith.constant 176 : index
      %swap3A_288 = tpu.vector_load %arg7[%swap3A_286, %swap3A_287] {strides = array<i32>} : memref<144x192xf32, #tpu.memory_space<vmem>>, vector<1x16xf32>,
      %swap3A_289 = vector.shape_cast %swap3A_288 : vector<1x16xf32> to vector<16xf32>
      %swap3A_290 = vector.shape_cast %add3A_285 : vector<16xf32> to vector<1x16xf32>
      tpu.vector_store %arg7[%swap3A_286, %swap3A_287], %swap3A_290 {strides = array<i32>} : memref<144x192xf32, #tpu.memory_space<vmem>>, vector<1x16xf32>,
    }
    %scan3A_49 = arith.constant 144 : i32
    %mul3A_50 = arith.constant 144 : i32
    %mul3A_51 = arith.muli %add3A, %mul3A_50 : i32
    %multiple_of3A_52 = tpu.assume_multiple %mul3A_51, 144 : i32
    "tpu.region"() ({
      %run_scoped3A = tpu.sem_alloc : memref<!tpu.dma_semaphore, #tpu.memory_space<semaphore_mem>>
      %dma_start3A = arith.constant 0 : i32
      %dma_start3A_53 = tpu.memref_slice %arg4[%multiple_of3A_52, %dma_start3A] : memref<4608x192xf32, #tpu.memory_space<hbm>> -> memref<144x192xf32, #tpu.memory_space<hbm>>
      %dma_start3A_54 = arith.constant 0 : i32
      %dma_start3A_55 = tpu.memref_slice %arg4[%multiple_of3A_52, %dma_start3A_54] : memref<4608x192xf32, #tpu.memory_space<hbm>> -> memref<144x192xf32, #tpu.memory_space<hbm>>
      tpu.enqueue_dma source(%arg7 : memref<144x192xf32, #tpu.memory_space<vmem>>) target(%dma_start3A_55 : memref<144x192xf32, #tpu.memory_space<hbm>>) target_semaphore(%run_scoped3A : memref<!tpu.dma_semaphore, #tpu.memory_space<semaphore_mem>>)
      %dma_wait3A = arith.constant 0 : i32
      %dma_wait3A_56 = tpu.memref_slice %arg4[%multiple_of3A_52, %dma_wait3A] : memref<4608x192xf32, #tpu.memory_space<hbm>> -> memref<144x192xf32, #tpu.memory_space<hbm>>
      %dma_wait3A_57 = arith.constant 0 : i32
      %dma_wait3A_58 = tpu.memref_slice %arg4[%multiple_of3A_52, %dma_wait3A_57] : memref<4608x192xf32, #tpu.memory_space<hbm>> -> memref<144x192xf32, #tpu.memory_space<hbm>>
      tpu.wait_dma2 semaphore(%run_scoped3A : memref<!tpu.dma_semaphore, #tpu.memory_space<semaphore_mem>>) src(%arg7 : memref<144x192xf32, #tpu.memory_space<vmem>>) dst(%dma_wait3A_58 : memref<144x192xf32, #tpu.memory_space<hbm>>)
      tpu.yield
    }) : () -> ()
    return
  }
}

module attributes {stable_mosaic.version = 14 : i64} {
  func.func @_tc_stream_body(%arg0: i32, %arg1: i32, %arg2: memref<1x576x192xf32, #tpu.memory_space<vmem>>, %arg3: memref<1x576x192xf32, #tpu.memory_space<vmem>>, %arg4: memref<1x1x576xf32, #tpu.memory_space<vmem>>, %arg5: memref<576x192xf32, #tpu.memory_space<vmem>>) attributes {dimension_semantics = [#tpu.dimension_semantics<arbitrary>, #tpu.dimension_semantics<arbitrary>], iteration_bounds = array<i64: 8, 2>, scalar_prefetch = 0 : i64, scratch_operands = 1 : i64, tpu.core_type = #tpu.core_type<tc>, window_params = [{transform_indices = @transform_0, window_bounds = array<i64: 1, 576, 192>}, {transform_indices = @transform_1, window_bounds = array<i64: 1, 576, 192>}, {transform_indices = @transform_2, window_bounds = array<i64: 1, 1, 576>}]} {
    %eq3A = arith.constant 0 : i32
    %eq3A_0 = arith.cmpi eq, %arg1, %eq3A : i32
    %convert_element_type3A = arith.extui %eq3A_0 : i1 to i32
    %cond3A = arith.constant 0 : i32
    %cond3A_1 = arith.cmpi ne, %convert_element_type3A, %cond3A : i32
    scf.if %cond3A_1 {
      %get3A = arith.constant 0 : index
      %get3A_7 = arith.constant 0 : index
      %get3A_8 = arith.constant 0 : index
      %get3A_9 = vector.load %arg2[%get3A, %get3A_7, %get3A_8] : memref<1x576x192xf32, #tpu.memory_space<vmem>>, vector<1x576x192xf32>
      %get3A_10 = vector.shape_cast %get3A_9 : vector<1x576x192xf32> to vector<576x192xf32>
      %get3A_11 = arith.constant 0 : index
      %get3A_12 = arith.constant 0 : index
      %get3A_13 = arith.constant 0 : index
      %get3A_14 = vector.load %arg3[%get3A_11, %get3A_12, %get3A_13] : memref<1x576x192xf32, #tpu.memory_space<vmem>>, vector<1x576x192xf32>
      %get3A_15 = vector.shape_cast %get3A_14 : vector<1x576x192xf32> to vector<576x192xf32>
      %sub3A = arith.subf %get3A_10, %get3A_15 : vector<576x192xf32>
      %abs3A = math.absf %sub3A : vector<576x192xf32>
      %swap3A = arith.constant 0 : index
      %swap3A_16 = arith.constant 0 : index
      %swap3A_17 = vector.load %arg5[%swap3A, %swap3A_16] : memref<576x192xf32, #tpu.memory_space<vmem>>, vector<576x192xf32>
      tpu.vector_store %arg5[%swap3A, %swap3A_16], %abs3A {strides = array<i32>} : memref<576x192xf32, #tpu.memory_space<vmem>>, vector<576x192xf32>,
    } else {
    }
    %eq3A_2 = arith.constant 1 : i32
    %eq3A_3 = arith.cmpi eq, %arg1, %eq3A_2 : i32
    %convert_element_type3A_4 = arith.extui %eq3A_3 : i1 to i32
    %cond3A_5 = arith.constant 0 : i32
    %cond3A_6 = arith.cmpi ne, %convert_element_type3A_4, %cond3A_5 : i32
    scf.if %cond3A_6 {
      %get3A = arith.constant 0 : index
      %get3A_7 = arith.constant 0 : index
      %get3A_8 = vector.load %arg5[%get3A, %get3A_7] : memref<576x192xf32, #tpu.memory_space<vmem>>, vector<576x192xf32>
      %get3A_9 = arith.constant 0 : index
      %get3A_10 = arith.constant 0 : index
      %get3A_11 = arith.constant 0 : index
      %get3A_12 = vector.load %arg2[%get3A_9, %get3A_10, %get3A_11] : memref<1x576x192xf32, #tpu.memory_space<vmem>>, vector<1x576x192xf32>
      %get3A_13 = vector.shape_cast %get3A_12 : vector<1x576x192xf32> to vector<576x192xf32>
      %get3A_14 = arith.constant 0 : index
      %get3A_15 = arith.constant 0 : index
      %get3A_16 = arith.constant 0 : index
      %get3A_17 = vector.load %arg3[%get3A_14, %get3A_15, %get3A_16] : memref<1x576x192xf32, #tpu.memory_space<vmem>>, vector<1x576x192xf32>
      %get3A_18 = vector.shape_cast %get3A_17 : vector<1x576x192xf32> to vector<576x192xf32>
      %sub3A = arith.subf %get3A_13, %get3A_18 : vector<576x192xf32>
      %abs3A = math.absf %sub3A : vector<576x192xf32>
      %add3A = arith.addf %get3A_8, %abs3A : vector<576x192xf32>
      %reduce_sum3A = arith.constant dense<0.000000e+00> : vector<576xf32>
      %reduce_sum3A_19 = vector.multi_reduction <add>, %add3A, %reduce_sum3A [1] : vector<576x192xf32> to vector<576xf32>
      %broadcast_in_dim3A = vector.shape_cast %reduce_sum3A_19 : vector<576xf32> to vector<576x1xf32>
      %transpose3A = tpu.transpose %broadcast_in_dim3A, [1, 0] : vector<576x1xf32> -> vector<1x576xf32>
      %swap3A = arith.constant 0 : index
      %swap3A_20 = arith.constant 0 : index
      %swap3A_21 = arith.constant 0 : index
      %swap3A_22 = vector.load %arg4[%swap3A, %swap3A_20, %swap3A_21] : memref<1x1x576xf32, #tpu.memory_space<vmem>>, vector<1x1x576xf32>
      %swap3A_23 = vector.shape_cast %swap3A_22 : vector<1x1x576xf32> to vector<1x576xf32>
      %swap3A_24 = vector.shape_cast %transpose3A : vector<1x576xf32> to vector<1x1x576xf32>
      tpu.vector_store %arg4[%swap3A, %swap3A_20, %swap3A_21], %swap3A_24 {strides = array<i32>} : memref<1x1x576xf32, #tpu.memory_space<vmem>>, vector<1x1x576xf32>,
    } else {
    }
    return
  }
  func.func @transform_0(%arg0: i32, %arg1: i32) -> (i32, i32, i32) {
    %c0_i32 = arith.constant 0 : i32
    %c0_i32_0 = arith.constant 0 : i32
    return %arg0, %arg1, %c0_i32 : i32, i32, i32
  }
  func.func @transform_1(%arg0: i32, %arg1: i32) -> (i32, i32, i32) {
    %c0_i32 = arith.constant 0 : i32
    %c0_i32_0 = arith.constant 0 : i32
    return %arg0, %arg1, %c0_i32 : i32, i32, i32
  }
  func.func @transform_2(%arg0: i32, %arg1: i32) -> (i32, i32, i32) {
    %c0_i32 = arith.constant 0 : i32
    %c0_i32_0 = arith.constant 0 : i32
    %c0_i32_1 = arith.constant 0 : i32
    return %arg0, %c0_i32, %c0_i32_0 : i32, i32, i32
  }
}

module attributes {stable_mosaic.version = 14 : i64} {
  func.func @_select_body(%arg0: i32, %arg1: memref<1x576x192xf32, #tpu.memory_space<vmem>>, %arg2: memref<1x576x192xf32, #tpu.memory_space<vmem>>, %arg3: memref<1x576x1xf32, #tpu.memory_space<vmem>>, %arg4: memref<1x1x576xf32, #tpu.memory_space<vmem>>, %arg5: memref<1x1xf32, #tpu.memory_space<vmem>>, %arg6: memref<8x576xf32, #tpu.memory_space<vmem>>, %arg7: memref<8x576xf32, #tpu.memory_space<vmem>>) attributes {dimension_semantics = [#tpu.dimension_semantics<arbitrary>], iteration_bounds = array<i64: 8>, scalar_prefetch = 0 : i64, scratch_operands = 2 : i64, tpu.core_type = #tpu.core_type<tc>, window_params = [{transform_indices = @transform_0, window_bounds = array<i64: 1, 576, 192>}, {transform_indices = @transform_1, window_bounds = array<i64: 1, 576, 192>}, {transform_indices = @transform_2, window_bounds = array<i64: 1, 576, 1>}, {transform_indices = @transform_3, window_bounds = array<i64: 1, 1, 576>}, {pipeline_mode = #tpu.pipeline_mode<synchronous>, transform_indices = @transform_4, window_bounds = array<i64: 1, 1>}]} {
    %get3A = arith.constant 0 : index
    %get3A_0 = arith.constant 0 : index
    %get3A_1 = arith.constant 0 : index
    %get3A_2 = vector.load %arg1[%get3A, %get3A_0, %get3A_1] : memref<1x576x192xf32, #tpu.memory_space<vmem>>, vector<1x576x192xf32>
    %get3A_3 = vector.shape_cast %get3A_2 : vector<1x576x192xf32> to vector<576x192xf32>
    %reduce_sum3A = arith.constant dense<0.000000e+00> : vector<576xf32>
    %reduce_sum3A_4 = vector.multi_reduction <add>, %get3A_3, %reduce_sum3A [1] : vector<576x192xf32> to vector<576xf32>
    %broadcast_in_dim3A = vector.shape_cast %reduce_sum3A_4 : vector<576xf32> to vector<576x1xf32>
    %get3A_5 = arith.constant 0 : index
    %get3A_6 = arith.constant 0 : index
    %get3A_7 = arith.constant 0 : index
    %get3A_8 = vector.load %arg4[%get3A_5, %get3A_6, %get3A_7] : memref<1x1x576xf32, #tpu.memory_space<vmem>>, vector<1x1x576xf32>
    %get3A_9 = vector.shape_cast %get3A_8 : vector<1x1x576xf32> to vector<1x576xf32>
    %transpose3A = tpu.transpose %broadcast_in_dim3A, [1, 0] : vector<576x1xf32> -> vector<1x576xf32>
    %add3A = arith.addf %get3A_9, %transpose3A : vector<1x576xf32>
    %swap3A = arith.index_cast %arg0 : i32 to index
    %swap3A_10 = arith.constant 0 : index
    %swap3A_11 = vector.load %arg6[%swap3A, %swap3A_10] : memref<8x576xf32, #tpu.memory_space<vmem>>, vector<1x576xf32>
    tpu.vector_store %arg6[%swap3A, %swap3A_10], %add3A {strides = array<i32>} : memref<8x576xf32, #tpu.memory_space<vmem>>, vector<1x576xf32>,
    %get3A_12 = arith.constant 0 : index
    %get3A_13 = arith.constant 0 : index
    %get3A_14 = arith.constant 0 : index
    %get3A_15 = vector.load %arg2[%get3A_12, %get3A_13, %get3A_14] : memref<1x576x192xf32, #tpu.memory_space<vmem>>, vector<1x576x192xf32>
    %get3A_16 = vector.shape_cast %get3A_15 : vector<1x576x192xf32> to vector<576x192xf32>
    %mul3A = arith.mulf %get3A_16, %get3A_16 : vector<576x192xf32>
    %reduce_sum3A_17 = arith.constant dense<0.000000e+00> : vector<576xf32>
    %reduce_sum3A_18 = vector.multi_reduction <add>, %mul3A, %reduce_sum3A_17 [1] : vector<576x192xf32> to vector<576xf32>
    %broadcast_in_dim3A_19 = vector.shape_cast %reduce_sum3A_18 : vector<576xf32> to vector<576x1xf32>
    %sqrt3A = math.sqrt %broadcast_in_dim3A_19 : vector<576x1xf32>
    %get3A_20 = arith.constant 0 : index
    %get3A_21 = arith.constant 0 : index
    %get3A_22 = arith.constant 0 : index
    %get3A_23 = vector.load %arg3[%get3A_20, %get3A_21, %get3A_22] : memref<1x576x1xf32, #tpu.memory_space<vmem>>, vector<1x576x1xf32>
    %get3A_24 = vector.shape_cast %get3A_23 : vector<1x576x1xf32> to vector<576x1xf32>
    %add3A_25 = arith.constant 1.000000e-07 : f32
    %add3A_26 = vector.broadcast %add3A_25 : f32 to vector<576x1xf32>
    %add3A_27 = arith.addf %sqrt3A, %add3A_26 : vector<576x1xf32>
    %log3A = math.log %add3A_27 : vector<576x1xf32>
    %sub3A = arith.subf %get3A_24, %log3A : vector<576x1xf32>
    %transpose3A_28 = tpu.transpose %sub3A, [1, 0] : vector<576x1xf32> -> vector<1x576xf32>
    %swap3A_29 = arith.index_cast %arg0 : i32 to index
    %swap3A_30 = arith.constant 0 : index
    %swap3A_31 = vector.load %arg7[%swap3A_29, %swap3A_30] : memref<8x576xf32, #tpu.memory_space<vmem>>, vector<1x576xf32>
    tpu.vector_store %arg7[%swap3A_29, %swap3A_30], %transpose3A_28 {strides = array<i32>} : memref<8x576xf32, #tpu.memory_space<vmem>>, vector<1x576xf32>,
    %eq3A = arith.constant 7 : i32
    %eq3A_32 = arith.cmpi eq, %arg0, %eq3A : i32
    %convert_element_type3A = arith.extui %eq3A_32 : i1 to i32
    %cond3A = arith.constant 0 : i32
    %cond3A_33 = arith.cmpi ne, %convert_element_type3A, %cond3A : i32
    scf.if %cond3A_33 {
      %get3A_34 = arith.constant 0 : index
      %get3A_35 = arith.constant 0 : index
      %get3A_36 = vector.load %arg7[%get3A_34, %get3A_35] : memref<8x576xf32, #tpu.memory_space<vmem>>, vector<8x576xf32>
      %bitcast_convert_type3A = tpu.bitcast %get3A_36 : vector<8x576xf32> -> vector<8x576xi32>
      %ge3A = arith.constant 0 : i32
      %ge3A_37 = vector.broadcast %ge3A : i32 to vector<8x576xi32>
      %ge3A_38 = arith.cmpi sge, %bitcast_convert_type3A, %ge3A_37 : vector<8x576xi32>
      %sub3A_39 = arith.constant -2147483648 : i32
      %sub3A_40 = vector.broadcast %sub3A_39 : i32 to vector<8x576xi32>
      %sub3A_41 = arith.subi %sub3A_40, %bitcast_convert_type3A : vector<8x576xi32>
      %select_n3A = arith.select %ge3A_38, %bitcast_convert_type3A, %sub3A_41 : vector<8x576xi1>, vector<8x576xi32>
      %broadcast_in_dim3A_42 = arith.constant 0 : i32
      %broadcast_in_dim3A_43 = vector.broadcast %broadcast_in_dim3A_42 : i32 to vector<8x1xi32>
      %or3A = arith.constant -2147483648 : i32
      %or3A_44 = vector.broadcast %or3A : i32 to vector<8x1xi32>
      %or3A_45 = arith.ori %broadcast_in_dim3A_43, %or3A_44 : vector<8x1xi32>
      %xor3A = arith.constant -2147483648 : i32
      %xor3A_46 = vector.broadcast %xor3A : i32 to vector<8x1xi32>
      %xor3A_47 = arith.xori %or3A_45, %xor3A_46 : vector<8x1xi32>
      %ge3A_48 = vector.broadcast %xor3A_47 : vector<8x1xi32> to vector<8x576xi32>
      %ge3A_49 = arith.cmpi sge, %select_n3A, %ge3A_48 : vector<8x576xi32>
      %convert_element_type3A_50 = arith.extui %ge3A_49 : vector<8x576xi1> to vector<8x576xi32>
      %convert_element_type3A_51 = arith.sitofp %convert_element_type3A_50 : vector<8x576xi32> to vector<8x576xf32>
      %reduce_sum3A_52 = arith.constant dense<0.000000e+00> : vector<8xf32>
      %reduce_sum3A_53 = vector.multi_reduction <add>, %convert_element_type3A_51, %reduce_sum3A_52 [1] : vector<8x576xf32> to vector<8xf32>
      %broadcast_in_dim3A_54 = vector.shape_cast %reduce_sum3A_53 : vector<8xf32> to vector<8x1xf32>
      %ge3A_55 = arith.constant 2.880000e+02 : f32
      %ge3A_56 = vector.broadcast %ge3A_55 : f32 to vector<8x1xf32>
      %ge3A_57 = arith.cmpf oge, %broadcast_in_dim3A_54, %ge3A_56 : vector<8x1xf32>
      %select_n3A_58 = arith.select %ge3A_57, %or3A_45, %broadcast_in_dim3A_43 : vector<8x1xi1>, vector<8x1xi32>
      %or3A_59 = arith.constant 1073741824 : i32
      %or3A_60 = vector.broadcast %or3A_59 : i32 to vector<8x1xi32>
      %or3A_61 = arith.ori %select_n3A_58, %or3A_60 : vector<8x1xi32>
      %xor3A_62 = arith.constant -2147483648 : i32
      %xor3A_63 = vector.broadcast %xor3A_62 : i32 to vector<8x1xi32>
      %xor3A_64 = arith.xori %or3A_61, %xor3A_63 : vector<8x1xi32>
      %ge3A_65 = vector.broadcast %xor3A_64 : vector<8x1xi32> to vector<8x576xi32>
      %ge3A_66 = arith.cmpi sge, %select_n3A, %ge3A_65 : vector<8x576xi32>
      %convert_element_type3A_67 = arith.extui %ge3A_66 : vector<8x576xi1> to vector<8x576xi32>
      %convert_element_type3A_68 = arith.sitofp %convert_element_type3A_67 : vector<8x576xi32> to vector<8x576xf32>
      %reduce_sum3A_69 = arith.constant dense<0.000000e+00> : vector<8xf32>
      %reduce_sum3A_70 = vector.multi_reduction <add>, %convert_element_type3A_68, %reduce_sum3A_69 [1] : vector<8x576xf32> to vector<8xf32>
      %broadcast_in_dim3A_71 = vector.shape_cast %reduce_sum3A_70 : vector<8xf32> to vector<8x1xf32>
      %ge3A_72 = arith.constant 2.880000e+02 : f32
      %ge3A_73 = vector.broadcast %ge3A_72 : f32 to vector<8x1xf32>
      %ge3A_74 = arith.cmpf oge, %broadcast_in_dim3A_71, %ge3A_73 : vector<8x1xf32>
      %select_n3A_75 = arith.select %ge3A_74, %or3A_61, %select_n3A_58 : vector<8x1xi1>, vector<8x1xi32>
      %or3A_76 = arith.constant 536870912 : i32
      %or3A_77 = vector.broadcast %or3A_76 : i32 to vector<8x1xi32>
      %or3A_78 = arith.ori %select_n3A_75, %or3A_77 : vector<8x1xi32>
      %xor3A_79 = arith.constant -2147483648 : i32
      %xor3A_80 = vector.broadcast %xor3A_79 : i32 to vector<8x1xi32>
      %xor3A_81 = arith.xori %or3A_78, %xor3A_80 : vector<8x1xi32>
      %ge3A_82 = vector.broadcast %xor3A_81 : vector<8x1xi32> to vector<8x576xi32>
      %ge3A_83 = arith.cmpi sge, %select_n3A, %ge3A_82 : vector<8x576xi32>
      %convert_element_type3A_84 = arith.extui %ge3A_83 : vector<8x576xi1> to vector<8x576xi32>
      %convert_element_type3A_85 = arith.sitofp %convert_element_type3A_84 : vector<8x576xi32> to vector<8x576xf32>
      %reduce_sum3A_86 = arith.constant dense<0.000000e+00> : vector<8xf32>
      %reduce_sum3A_87 = vector.multi_reduction <add>, %convert_element_type3A_85, %reduce_sum3A_86 [1] : vector<8x576xf32> to vector<8xf32>
      %broadcast_in_dim3A_88 = vector.shape_cast %reduce_sum3A_87 : vector<8xf32> to vector<8x1xf32>
      %ge3A_89 = arith.constant 2.880000e+02 : f32
      %ge3A_90 = vector.broadcast %ge3A_89 : f32 to vector<8x1xf32>
      %ge3A_91 = arith.cmpf oge, %broadcast_in_dim3A_88, %ge3A_90 : vector<8x1xf32>
      %select_n3A_92 = arith.select %ge3A_91, %or3A_78, %select_n3A_75 : vector<8x1xi1>, vector<8x1xi32>
      %or3A_93 = arith.constant 268435456 : i32
      %or3A_94 = vector.broadcast %or3A_93 : i32 to vector<8x1xi32>
      %or3A_95 = arith.ori %select_n3A_92, %or3A_94 : vector<8x1xi32>
      %xor3A_96 = arith.constant -2147483648 : i32
      %xor3A_97 = vector.broadcast %xor3A_96 : i32 to vector<8x1xi32>
      %xor3A_98 = arith.xori %or3A_95, %xor3A_97 : vector<8x1xi32>
      %ge3A_99 = vector.broadcast %xor3A_98 : vector<8x1xi32> to vector<8x576xi32>
      %ge3A_100 = arith.cmpi sge, %select_n3A, %ge3A_99 : vector<8x576xi32>
      %convert_element_type3A_101 = arith.extui %ge3A_100 : vector<8x576xi1> to vector<8x576xi32>
      %convert_element_type3A_102 = arith.sitofp %convert_element_type3A_101 : vector<8x576xi32> to vector<8x576xf32>
      %reduce_sum3A_103 = arith.constant dense<0.000000e+00> : vector<8xf32>
      %reduce_sum3A_104 = vector.multi_reduction <add>, %convert_element_type3A_102, %reduce_sum3A_103 [1] : vector<8x576xf32> to vector<8xf32>
      %broadcast_in_dim3A_105 = vector.shape_cast %reduce_sum3A_104 : vector<8xf32> to vector<8x1xf32>
      %ge3A_106 = arith.constant 2.880000e+02 : f32
      %ge3A_107 = vector.broadcast %ge3A_106 : f32 to vector<8x1xf32>
      %ge3A_108 = arith.cmpf oge, %broadcast_in_dim3A_105, %ge3A_107 : vector<8x1xf32>
      %select_n3A_109 = arith.select %ge3A_108, %or3A_95, %select_n3A_92 : vector<8x1xi1>, vector<8x1xi32>
      %or3A_110 = arith.constant 134217728 : i32
      %or3A_111 = vector.broadcast %or3A_110 : i32 to vector<8x1xi32>
      %or3A_112 = arith.ori %select_n3A_109, %or3A_111 : vector<8x1xi32>
      %xor3A_113 = arith.constant -2147483648 : i32
      %xor3A_114 = vector.broadcast %xor3A_113 : i32 to vector<8x1xi32>
      %xor3A_115 = arith.xori %or3A_112, %xor3A_114 : vector<8x1xi32>
      %ge3A_116 = vector.broadcast %xor3A_115 : vector<8x1xi32> to vector<8x576xi32>
      %ge3A_117 = arith.cmpi sge, %select_n3A, %ge3A_116 : vector<8x576xi32>
      %convert_element_type3A_118 = arith.extui %ge3A_117 : vector<8x576xi1> to vector<8x576xi32>
      %convert_element_type3A_119 = arith.sitofp %convert_element_type3A_118 : vector<8x576xi32> to vector<8x576xf32>
      %reduce_sum3A_120 = arith.constant dense<0.000000e+00> : vector<8xf32>
      %reduce_sum3A_121 = vector.multi_reduction <add>, %convert_element_type3A_119, %reduce_sum3A_120 [1] : vector<8x576xf32> to vector<8xf32>
      %broadcast_in_dim3A_122 = vector.shape_cast %reduce_sum3A_121 : vector<8xf32> to vector<8x1xf32>
      %ge3A_123 = arith.constant 2.880000e+02 : f32
      %ge3A_124 = vector.broadcast %ge3A_123 : f32 to vector<8x1xf32>
      %ge3A_125 = arith.cmpf oge, %broadcast_in_dim3A_122, %ge3A_124 : vector<8x1xf32>
      %select_n3A_126 = arith.select %ge3A_125, %or3A_112, %select_n3A_109 : vector<8x1xi1>, vector<8x1xi32>
      %or3A_127 = arith.constant 67108864 : i32
      %or3A_128 = vector.broadcast %or3A_127 : i32 to vector<8x1xi32>
      %or3A_129 = arith.ori %select_n3A_126, %or3A_128 : vector<8x1xi32>
      %xor3A_130 = arith.constant -2147483648 : i32
      %xor3A_131 = vector.broadcast %xor3A_130 : i32 to vector<8x1xi32>
      %xor3A_132 = arith.xori %or3A_129, %xor3A_131 : vector<8x1xi32>
      %ge3A_133 = vector.broadcast %xor3A_132 : vector<8x1xi32> to vector<8x576xi32>
      %ge3A_134 = arith.cmpi sge, %select_n3A, %ge3A_133 : vector<8x576xi32>
      %convert_element_type3A_135 = arith.extui %ge3A_134 : vector<8x576xi1> to vector<8x576xi32>
      %convert_element_type3A_136 = arith.sitofp %convert_element_type3A_135 : vector<8x576xi32> to vector<8x576xf32>
      %reduce_sum3A_137 = arith.constant dense<0.000000e+00> : vector<8xf32>
      %reduce_sum3A_138 = vector.multi_reduction <add>, %convert_element_type3A_136, %reduce_sum3A_137 [1] : vector<8x576xf32> to vector<8xf32>
      %broadcast_in_dim3A_139 = vector.shape_cast %reduce_sum3A_138 : vector<8xf32> to vector<8x1xf32>
      %ge3A_140 = arith.constant 2.880000e+02 : f32
      %ge3A_141 = vector.broadcast %ge3A_140 : f32 to vector<8x1xf32>
      %ge3A_142 = arith.cmpf oge, %broadcast_in_dim3A_139, %ge3A_141 : vector<8x1xf32>
      %select_n3A_143 = arith.select %ge3A_142, %or3A_129, %select_n3A_126 : vector<8x1xi1>, vector<8x1xi32>
      %or3A_144 = arith.constant 33554432 : i32
      %or3A_145 = vector.broadcast %or3A_144 : i32 to vector<8x1xi32>
      %or3A_146 = arith.ori %select_n3A_143, %or3A_145 : vector<8x1xi32>
      %xor3A_147 = arith.constant -2147483648 : i32
      %xor3A_148 = vector.broadcast %xor3A_147 : i32 to vector<8x1xi32>
      %xor3A_149 = arith.xori %or3A_146, %xor3A_148 : vector<8x1xi32>
      %ge3A_150 = vector.broadcast %xor3A_149 : vector<8x1xi32> to vector<8x576xi32>
      %ge3A_151 = arith.cmpi sge, %select_n3A, %ge3A_150 : vector<8x576xi32>
      %convert_element_type3A_152 = arith.extui %ge3A_151 : vector<8x576xi1> to vector<8x576xi32>
      %convert_element_type3A_153 = arith.sitofp %convert_element_type3A_152 : vector<8x576xi32> to vector<8x576xf32>
      %reduce_sum3A_154 = arith.constant dense<0.000000e+00> : vector<8xf32>
      %reduce_sum3A_155 = vector.multi_reduction <add>, %convert_element_type3A_153, %reduce_sum3A_154 [1] : vector<8x576xf32> to vector<8xf32>
      %broadcast_in_dim3A_156 = vector.shape_cast %reduce_sum3A_155 : vector<8xf32> to vector<8x1xf32>
      %ge3A_157 = arith.constant 2.880000e+02 : f32
      %ge3A_158 = vector.broadcast %ge3A_157 : f32 to vector<8x1xf32>
      %ge3A_159 = arith.cmpf oge, %broadcast_in_dim3A_156, %ge3A_158 : vector<8x1xf32>
      %select_n3A_160 = arith.select %ge3A_159, %or3A_146, %select_n3A_143 : vector<8x1xi1>, vector<8x1xi32>
      %or3A_161 = arith.constant 16777216 : i32
      %or3A_162 = vector.broadcast %or3A_161 : i32 to vector<8x1xi32>
      %or3A_163 = arith.ori %select_n3A_160, %or3A_162 : vector<8x1xi32>
      %xor3A_164 = arith.constant -2147483648 : i32
      %xor3A_165 = vector.broadcast %xor3A_164 : i32 to vector<8x1xi32>
      %xor3A_166 = arith.xori %or3A_163, %xor3A_165 : vector<8x1xi32>
      %ge3A_167 = vector.broadcast %xor3A_166 : vector<8x1xi32> to vector<8x576xi32>
      %ge3A_168 = arith.cmpi sge, %select_n3A, %ge3A_167 : vector<8x576xi32>
      %convert_element_type3A_169 = arith.extui %ge3A_168 : vector<8x576xi1> to vector<8x576xi32>
      %convert_element_type3A_170 = arith.sitofp %convert_element_type3A_169 : vector<8x576xi32> to vector<8x576xf32>
      %reduce_sum3A_171 = arith.constant dense<0.000000e+00> : vector<8xf32>
      %reduce_sum3A_172 = vector.multi_reduction <add>, %convert_element_type3A_170, %reduce_sum3A_171 [1] : vector<8x576xf32> to vector<8xf32>
      %broadcast_in_dim3A_173 = vector.shape_cast %reduce_sum3A_172 : vector<8xf32> to vector<8x1xf32>
      %ge3A_174 = arith.constant 2.880000e+02 : f32
      %ge3A_175 = vector.broadcast %ge3A_174 : f32 to vector<8x1xf32>
      %ge3A_176 = arith.cmpf oge, %broadcast_in_dim3A_173, %ge3A_175 : vector<8x1xf32>
      %select_n3A_177 = arith.select %ge3A_176, %or3A_163, %select_n3A_160 : vector<8x1xi1>, vector<8x1xi32>
      %or3A_178 = arith.constant 8388608 : i32
      %or3A_179 = vector.broadcast %or3A_178 : i32 to vector<8x1xi32>
      %or3A_180 = arith.ori %select_n3A_177, %or3A_179 : vector<8x1xi32>
      %xor3A_181 = arith.constant -2147483648 : i32
      %xor3A_182 = vector.broadcast %xor3A_181 : i32 to vector<8x1xi32>
      %xor3A_183 = arith.xori %or3A_180, %xor3A_182 : vector<8x1xi32>
      %ge3A_184 = vector.broadcast %xor3A_183 : vector<8x1xi32> to vector<8x576xi32>
      %ge3A_185 = arith.cmpi sge, %select_n3A, %ge3A_184 : vector<8x576xi32>
      %convert_element_type3A_186 = arith.extui %ge3A_185 : vector<8x576xi1> to vector<8x576xi32>
      %convert_element_type3A_187 = arith.sitofp %convert_element_type3A_186 : vector<8x576xi32> to vector<8x576xf32>
      %reduce_sum3A_188 = arith.constant dense<0.000000e+00> : vector<8xf32>
      %reduce_sum3A_189 = vector.multi_reduction <add>, %convert_element_type3A_187, %reduce_sum3A_188 [1] : vector<8x576xf32> to vector<8xf32>
      %broadcast_in_dim3A_190 = vector.shape_cast %reduce_sum3A_189 : vector<8xf32> to vector<8x1xf32>
      %ge3A_191 = arith.constant 2.880000e+02 : f32
      %ge3A_192 = vector.broadcast %ge3A_191 : f32 to vector<8x1xf32>
      %ge3A_193 = arith.cmpf oge, %broadcast_in_dim3A_190, %ge3A_192 : vector<8x1xf32>
      %select_n3A_194 = arith.select %ge3A_193, %or3A_180, %select_n3A_177 : vector<8x1xi1>, vector<8x1xi32>
      %or3A_195 = arith.constant 4194304 : i32
      %or3A_196 = vector.broadcast %or3A_195 : i32 to vector<8x1xi32>
      %or3A_197 = arith.ori %select_n3A_194, %or3A_196 : vector<8x1xi32>
      %xor3A_198 = arith.constant -2147483648 : i32
      %xor3A_199 = vector.broadcast %xor3A_198 : i32 to vector<8x1xi32>
      %xor3A_200 = arith.xori %or3A_197, %xor3A_199 : vector<8x1xi32>
      %ge3A_201 = vector.broadcast %xor3A_200 : vector<8x1xi32> to vector<8x576xi32>
      %ge3A_202 = arith.cmpi sge, %select_n3A, %ge3A_201 : vector<8x576xi32>
      %convert_element_type3A_203 = arith.extui %ge3A_202 : vector<8x576xi1> to vector<8x576xi32>
      %convert_element_type3A_204 = arith.sitofp %convert_element_type3A_203 : vector<8x576xi32> to vector<8x576xf32>
      %reduce_sum3A_205 = arith.constant dense<0.000000e+00> : vector<8xf32>
      %reduce_sum3A_206 = vector.multi_reduction <add>, %convert_element_type3A_204, %reduce_sum3A_205 [1] : vector<8x576xf32> to vector<8xf32>
      %broadcast_in_dim3A_207 = vector.shape_cast %reduce_sum3A_206 : vector<8xf32> to vector<8x1xf32>
      %ge3A_208 = arith.constant 2.880000e+02 : f32
      %ge3A_209 = vector.broadcast %ge3A_208 : f32 to vector<8x1xf32>
      %ge3A_210 = arith.cmpf oge, %broadcast_in_dim3A_207, %ge3A_209 : vector<8x1xf32>
      %select_n3A_211 = arith.select %ge3A_210, %or3A_197, %select_n3A_194 : vector<8x1xi1>, vector<8x1xi32>
      %or3A_212 = arith.constant 2097152 : i32
      %or3A_213 = vector.broadcast %or3A_212 : i32 to vector<8x1xi32>
      %or3A_214 = arith.ori %select_n3A_211, %or3A_213 : vector<8x1xi32>
      %xor3A_215 = arith.constant -2147483648 : i32
      %xor3A_216 = vector.broadcast %xor3A_215 : i32 to vector<8x1xi32>
      %xor3A_217 = arith.xori %or3A_214, %xor3A_216 : vector<8x1xi32>
      %ge3A_218 = vector.broadcast %xor3A_217 : vector<8x1xi32> to vector<8x576xi32>
      %ge3A_219 = arith.cmpi sge, %select_n3A, %ge3A_218 : vector<8x576xi32>
      %convert_element_type3A_220 = arith.extui %ge3A_219 : vector<8x576xi1> to vector<8x576xi32>
      %convert_element_type3A_221 = arith.sitofp %convert_element_type3A_220 : vector<8x576xi32> to vector<8x576xf32>
      %reduce_sum3A_222 = arith.constant dense<0.000000e+00> : vector<8xf32>
      %reduce_sum3A_223 = vector.multi_reduction <add>, %convert_element_type3A_221, %reduce_sum3A_222 [1] : vector<8x576xf32> to vector<8xf32>
      %broadcast_in_dim3A_224 = vector.shape_cast %reduce_sum3A_223 : vector<8xf32> to vector<8x1xf32>
      %ge3A_225 = arith.constant 2.880000e+02 : f32
      %ge3A_226 = vector.broadcast %ge3A_225 : f32 to vector<8x1xf32>
      %ge3A_227 = arith.cmpf oge, %broadcast_in_dim3A_224, %ge3A_226 : vector<8x1xf32>
      %select_n3A_228 = arith.select %ge3A_227, %or3A_214, %select_n3A_211 : vector<8x1xi1>, vector<8x1xi32>
      %or3A_229 = arith.constant 1048576 : i32
      %or3A_230 = vector.broadcast %or3A_229 : i32 to vector<8x1xi32>
      %or3A_231 = arith.ori %select_n3A_228, %or3A_230 : vector<8x1xi32>
      %xor3A_232 = arith.constant -2147483648 : i32
      %xor3A_233 = vector.broadcast %xor3A_232 : i32 to vector<8x1xi32>
      %xor3A_234 = arith.xori %or3A_231, %xor3A_233 : vector<8x1xi32>
      %ge3A_235 = vector.broadcast %xor3A_234 : vector<8x1xi32> to vector<8x576xi32>
      %ge3A_236 = arith.cmpi sge, %select_n3A, %ge3A_235 : vector<8x576xi32>
      %convert_element_type3A_237 = arith.extui %ge3A_236 : vector<8x576xi1> to vector<8x576xi32>
      %convert_element_type3A_238 = arith.sitofp %convert_element_type3A_237 : vector<8x576xi32> to vector<8x576xf32>
      %reduce_sum3A_239 = arith.constant dense<0.000000e+00> : vector<8xf32>
      %reduce_sum3A_240 = vector.multi_reduction <add>, %convert_element_type3A_238, %reduce_sum3A_239 [1] : vector<8x576xf32> to vector<8xf32>
      %broadcast_in_dim3A_241 = vector.shape_cast %reduce_sum3A_240 : vector<8xf32> to vector<8x1xf32>
      %ge3A_242 = arith.constant 2.880000e+02 : f32
      %ge3A_243 = vector.broadcast %ge3A_242 : f32 to vector<8x1xf32>
      %ge3A_244 = arith.cmpf oge, %broadcast_in_dim3A_241, %ge3A_243 : vector<8x1xf32>
      %select_n3A_245 = arith.select %ge3A_244, %or3A_231, %select_n3A_228 : vector<8x1xi1>, vector<8x1xi32>
      %or3A_246 = arith.constant 524288 : i32
      %or3A_247 = vector.broadcast %or3A_246 : i32 to vector<8x1xi32>
      %or3A_248 = arith.ori %select_n3A_245, %or3A_247 : vector<8x1xi32>
      %xor3A_249 = arith.constant -2147483648 : i32
      %xor3A_250 = vector.broadcast %xor3A_249 : i32 to vector<8x1xi32>
      %xor3A_251 = arith.xori %or3A_248, %xor3A_250 : vector<8x1xi32>
      %ge3A_252 = vector.broadcast %xor3A_251 : vector<8x1xi32> to vector<8x576xi32>
      %ge3A_253 = arith.cmpi sge, %select_n3A, %ge3A_252 : vector<8x576xi32>
      %convert_element_type3A_254 = arith.extui %ge3A_253 : vector<8x576xi1> to vector<8x576xi32>
      %convert_element_type3A_255 = arith.sitofp %convert_element_type3A_254 : vector<8x576xi32> to vector<8x576xf32>
      %reduce_sum3A_256 = arith.constant dense<0.000000e+00> : vector<8xf32>
      %reduce_sum3A_257 = vector.multi_reduction <add>, %convert_element_type3A_255, %reduce_sum3A_256 [1] : vector<8x576xf32> to vector<8xf32>
      %broadcast_in_dim3A_258 = vector.shape_cast %reduce_sum3A_257 : vector<8xf32> to vector<8x1xf32>
      %ge3A_259 = arith.constant 2.880000e+02 : f32
      %ge3A_260 = vector.broadcast %ge3A_259 : f32 to vector<8x1xf32>
      %ge3A_261 = arith.cmpf oge, %broadcast_in_dim3A_258, %ge3A_260 : vector<8x1xf32>
      %select_n3A_262 = arith.select %ge3A_261, %or3A_248, %select_n3A_245 : vector<8x1xi1>, vector<8x1xi32>
      %or3A_263 = arith.constant 262144 : i32
      %or3A_264 = vector.broadcast %or3A_263 : i32 to vector<8x1xi32>
      %or3A_265 = arith.ori %select_n3A_262, %or3A_264 : vector<8x1xi32>
      %xor3A_266 = arith.constant -2147483648 : i32
      %xor3A_267 = vector.broadcast %xor3A_266 : i32 to vector<8x1xi32>
      %xor3A_268 = arith.xori %or3A_265, %xor3A_267 : vector<8x1xi32>
      %ge3A_269 = vector.broadcast %xor3A_268 : vector<8x1xi32> to vector<8x576xi32>
      %ge3A_270 = arith.cmpi sge, %select_n3A, %ge3A_269 : vector<8x576xi32>
      %convert_element_type3A_271 = arith.extui %ge3A_270 : vector<8x576xi1> to vector<8x576xi32>
      %convert_element_type3A_272 = arith.sitofp %convert_element_type3A_271 : vector<8x576xi32> to vector<8x576xf32>
      %reduce_sum3A_273 = arith.constant dense<0.000000e+00> : vector<8xf32>
      %reduce_sum3A_274 = vector.multi_reduction <add>, %convert_element_type3A_272, %reduce_sum3A_273 [1] : vector<8x576xf32> to vector<8xf32>
      %broadcast_in_dim3A_275 = vector.shape_cast %reduce_sum3A_274 : vector<8xf32> to vector<8x1xf32>
      %ge3A_276 = arith.constant 2.880000e+02 : f32
      %ge3A_277 = vector.broadcast %ge3A_276 : f32 to vector<8x1xf32>
      %ge3A_278 = arith.cmpf oge, %broadcast_in_dim3A_275, %ge3A_277 : vector<8x1xf32>
      %select_n3A_279 = arith.select %ge3A_278, %or3A_265, %select_n3A_262 : vector<8x1xi1>, vector<8x1xi32>
      %or3A_280 = arith.constant 131072 : i32
      %or3A_281 = vector.broadcast %or3A_280 : i32 to vector<8x1xi32>
      %or3A_282 = arith.ori %select_n3A_279, %or3A_281 : vector<8x1xi32>
      %xor3A_283 = arith.constant -2147483648 : i32
      %xor3A_284 = vector.broadcast %xor3A_283 : i32 to vector<8x1xi32>
      %xor3A_285 = arith.xori %or3A_282, %xor3A_284 : vector<8x1xi32>
      %ge3A_286 = vector.broadcast %xor3A_285 : vector<8x1xi32> to vector<8x576xi32>
      %ge3A_287 = arith.cmpi sge, %select_n3A, %ge3A_286 : vector<8x576xi32>
      %convert_element_type3A_288 = arith.extui %ge3A_287 : vector<8x576xi1> to vector<8x576xi32>
      %convert_element_type3A_289 = arith.sitofp %convert_element_type3A_288 : vector<8x576xi32> to vector<8x576xf32>
      %reduce_sum3A_290 = arith.constant dense<0.000000e+00> : vector<8xf32>
      %reduce_sum3A_291 = vector.multi_reduction <add>, %convert_element_type3A_289, %reduce_sum3A_290 [1] : vector<8x576xf32> to vector<8xf32>
      %broadcast_in_dim3A_292 = vector.shape_cast %reduce_sum3A_291 : vector<8xf32> to vector<8x1xf32>
      %ge3A_293 = arith.constant 2.880000e+02 : f32
      %ge3A_294 = vector.broadcast %ge3A_293 : f32 to vector<8x1xf32>
      %ge3A_295 = arith.cmpf oge, %broadcast_in_dim3A_292, %ge3A_294 : vector<8x1xf32>
      %select_n3A_296 = arith.select %ge3A_295, %or3A_282, %select_n3A_279 : vector<8x1xi1>, vector<8x1xi32>
      %or3A_297 = arith.constant 65536 : i32
      %or3A_298 = vector.broadcast %or3A_297 : i32 to vector<8x1xi32>
      %or3A_299 = arith.ori %select_n3A_296, %or3A_298 : vector<8x1xi32>
      %xor3A_300 = arith.constant -2147483648 : i32
      %xor3A_301 = vector.broadcast %xor3A_300 : i32 to vector<8x1xi32>
      %xor3A_302 = arith.xori %or3A_299, %xor3A_301 : vector<8x1xi32>
      %ge3A_303 = vector.broadcast %xor3A_302 : vector<8x1xi32> to vector<8x576xi32>
      %ge3A_304 = arith.cmpi sge, %select_n3A, %ge3A_303 : vector<8x576xi32>
      %convert_element_type3A_305 = arith.extui %ge3A_304 : vector<8x576xi1> to vector<8x576xi32>
      %convert_element_type3A_306 = arith.sitofp %convert_element_type3A_305 : vector<8x576xi32> to vector<8x576xf32>
      %reduce_sum3A_307 = arith.constant dense<0.000000e+00> : vector<8xf32>
      %reduce_sum3A_308 = vector.multi_reduction <add>, %convert_element_type3A_306, %reduce_sum3A_307 [1] : vector<8x576xf32> to vector<8xf32>
      %broadcast_in_dim3A_309 = vector.shape_cast %reduce_sum3A_308 : vector<8xf32> to vector<8x1xf32>
      %ge3A_310 = arith.constant 2.880000e+02 : f32
      %ge3A_311 = vector.broadcast %ge3A_310 : f32 to vector<8x1xf32>
      %ge3A_312 = arith.cmpf oge, %broadcast_in_dim3A_309, %ge3A_311 : vector<8x1xf32>
      %select_n3A_313 = arith.select %ge3A_312, %or3A_299, %select_n3A_296 : vector<8x1xi1>, vector<8x1xi32>
      %or3A_314 = arith.constant 32768 : i32
      %or3A_315 = vector.broadcast %or3A_314 : i32 to vector<8x1xi32>
      %or3A_316 = arith.ori %select_n3A_313, %or3A_315 : vector<8x1xi32>
      %xor3A_317 = arith.constant -2147483648 : i32
      %xor3A_318 = vector.broadcast %xor3A_317 : i32 to vector<8x1xi32>
      %xor3A_319 = arith.xori %or3A_316, %xor3A_318 : vector<8x1xi32>
      %ge3A_320 = vector.broadcast %xor3A_319 : vector<8x1xi32> to vector<8x576xi32>
      %ge3A_321 = arith.cmpi sge, %select_n3A, %ge3A_320 : vector<8x576xi32>
      %convert_element_type3A_322 = arith.extui %ge3A_321 : vector<8x576xi1> to vector<8x576xi32>
      %convert_element_type3A_323 = arith.sitofp %convert_element_type3A_322 : vector<8x576xi32> to vector<8x576xf32>
      %reduce_sum3A_324 = arith.constant dense<0.000000e+00> : vector<8xf32>
      %reduce_sum3A_325 = vector.multi_reduction <add>, %convert_element_type3A_323, %reduce_sum3A_324 [1] : vector<8x576xf32> to vector<8xf32>
      %broadcast_in_dim3A_326 = vector.shape_cast %reduce_sum3A_325 : vector<8xf32> to vector<8x1xf32>
      %ge3A_327 = arith.constant 2.880000e+02 : f32
      %ge3A_328 = vector.broadcast %ge3A_327 : f32 to vector<8x1xf32>
      %ge3A_329 = arith.cmpf oge, %broadcast_in_dim3A_326, %ge3A_328 : vector<8x1xf32>
      %select_n3A_330 = arith.select %ge3A_329, %or3A_316, %select_n3A_313 : vector<8x1xi1>, vector<8x1xi32>
      %or3A_331 = arith.constant 16384 : i32
      %or3A_332 = vector.broadcast %or3A_331 : i32 to vector<8x1xi32>
      %or3A_333 = arith.ori %select_n3A_330, %or3A_332 : vector<8x1xi32>
      %xor3A_334 = arith.constant -2147483648 : i32
      %xor3A_335 = vector.broadcast %xor3A_334 : i32 to vector<8x1xi32>
      %xor3A_336 = arith.xori %or3A_333, %xor3A_335 : vector<8x1xi32>
      %ge3A_337 = vector.broadcast %xor3A_336 : vector<8x1xi32> to vector<8x576xi32>
      %ge3A_338 = arith.cmpi sge, %select_n3A, %ge3A_337 : vector<8x576xi32>
      %convert_element_type3A_339 = arith.extui %ge3A_338 : vector<8x576xi1> to vector<8x576xi32>
      %convert_element_type3A_340 = arith.sitofp %convert_element_type3A_339 : vector<8x576xi32> to vector<8x576xf32>
      %reduce_sum3A_341 = arith.constant dense<0.000000e+00> : vector<8xf32>
      %reduce_sum3A_342 = vector.multi_reduction <add>, %convert_element_type3A_340, %reduce_sum3A_341 [1] : vector<8x576xf32> to vector<8xf32>
      %broadcast_in_dim3A_343 = vector.shape_cast %reduce_sum3A_342 : vector<8xf32> to vector<8x1xf32>
      %ge3A_344 = arith.constant 2.880000e+02 : f32
      %ge3A_345 = vector.broadcast %ge3A_344 : f32 to vector<8x1xf32>
      %ge3A_346 = arith.cmpf oge, %broadcast_in_dim3A_343, %ge3A_345 : vector<8x1xf32>
      %select_n3A_347 = arith.select %ge3A_346, %or3A_333, %select_n3A_330 : vector<8x1xi1>, vector<8x1xi32>
      %or3A_348 = arith.constant 8192 : i32
      %or3A_349 = vector.broadcast %or3A_348 : i32 to vector<8x1xi32>
      %or3A_350 = arith.ori %select_n3A_347, %or3A_349 : vector<8x1xi32>
      %xor3A_351 = arith.constant -2147483648 : i32
      %xor3A_352 = vector.broadcast %xor3A_351 : i32 to vector<8x1xi32>
      %xor3A_353 = arith.xori %or3A_350, %xor3A_352 : vector<8x1xi32>
      %ge3A_354 = vector.broadcast %xor3A_353 : vector<8x1xi32> to vector<8x576xi32>
      %ge3A_355 = arith.cmpi sge, %select_n3A, %ge3A_354 : vector<8x576xi32>
      %convert_element_type3A_356 = arith.extui %ge3A_355 : vector<8x576xi1> to vector<8x576xi32>
      %convert_element_type3A_357 = arith.sitofp %convert_element_type3A_356 : vector<8x576xi32> to vector<8x576xf32>
      %reduce_sum3A_358 = arith.constant dense<0.000000e+00> : vector<8xf32>
      %reduce_sum3A_359 = vector.multi_reduction <add>, %convert_element_type3A_357, %reduce_sum3A_358 [1] : vector<8x576xf32> to vector<8xf32>
      %broadcast_in_dim3A_360 = vector.shape_cast %reduce_sum3A_359 : vector<8xf32> to vector<8x1xf32>
      %ge3A_361 = arith.constant 2.880000e+02 : f32
      %ge3A_362 = vector.broadcast %ge3A_361 : f32 to vector<8x1xf32>
      %ge3A_363 = arith.cmpf oge, %broadcast_in_dim3A_360, %ge3A_362 : vector<8x1xf32>
      %select_n3A_364 = arith.select %ge3A_363, %or3A_350, %select_n3A_347 : vector<8x1xi1>, vector<8x1xi32>
      %or3A_365 = arith.constant 4096 : i32
      %or3A_366 = vector.broadcast %or3A_365 : i32 to vector<8x1xi32>
      %or3A_367 = arith.ori %select_n3A_364, %or3A_366 : vector<8x1xi32>
      %xor3A_368 = arith.constant -2147483648 : i32
      %xor3A_369 = vector.broadcast %xor3A_368 : i32 to vector<8x1xi32>
      %xor3A_370 = arith.xori %or3A_367, %xor3A_369 : vector<8x1xi32>
      %ge3A_371 = vector.broadcast %xor3A_370 : vector<8x1xi32> to vector<8x576xi32>
      %ge3A_372 = arith.cmpi sge, %select_n3A, %ge3A_371 : vector<8x576xi32>
      %convert_element_type3A_373 = arith.extui %ge3A_372 : vector<8x576xi1> to vector<8x576xi32>
      %convert_element_type3A_374 = arith.sitofp %convert_element_type3A_373 : vector<8x576xi32> to vector<8x576xf32>
      %reduce_sum3A_375 = arith.constant dense<0.000000e+00> : vector<8xf32>
      %reduce_sum3A_376 = vector.multi_reduction <add>, %convert_element_type3A_374, %reduce_sum3A_375 [1] : vector<8x576xf32> to vector<8xf32>
      %broadcast_in_dim3A_377 = vector.shape_cast %reduce_sum3A_376 : vector<8xf32> to vector<8x1xf32>
      %ge3A_378 = arith.constant 2.880000e+02 : f32
      %ge3A_379 = vector.broadcast %ge3A_378 : f32 to vector<8x1xf32>
      %ge3A_380 = arith.cmpf oge, %broadcast_in_dim3A_377, %ge3A_379 : vector<8x1xf32>
      %select_n3A_381 = arith.select %ge3A_380, %or3A_367, %select_n3A_364 : vector<8x1xi1>, vector<8x1xi32>
      %or3A_382 = arith.constant 2048 : i32
      %or3A_383 = vector.broadcast %or3A_382 : i32 to vector<8x1xi32>
      %or3A_384 = arith.ori %select_n3A_381, %or3A_383 : vector<8x1xi32>
      %xor3A_385 = arith.constant -2147483648 : i32
      %xor3A_386 = vector.broadcast %xor3A_385 : i32 to vector<8x1xi32>
      %xor3A_387 = arith.xori %or3A_384, %xor3A_386 : vector<8x1xi32>
      %ge3A_388 = vector.broadcast %xor3A_387 : vector<8x1xi32> to vector<8x576xi32>
      %ge3A_389 = arith.cmpi sge, %select_n3A, %ge3A_388 : vector<8x576xi32>
      %convert_element_type3A_390 = arith.extui %ge3A_389 : vector<8x576xi1> to vector<8x576xi32>
      %convert_element_type3A_391 = arith.sitofp %convert_element_type3A_390 : vector<8x576xi32> to vector<8x576xf32>
      %reduce_sum3A_392 = arith.constant dense<0.000000e+00> : vector<8xf32>
      %reduce_sum3A_393 = vector.multi_reduction <add>, %convert_element_type3A_391, %reduce_sum3A_392 [1] : vector<8x576xf32> to vector<8xf32>
      %broadcast_in_dim3A_394 = vector.shape_cast %reduce_sum3A_393 : vector<8xf32> to vector<8x1xf32>
      %ge3A_395 = arith.constant 2.880000e+02 : f32
      %ge3A_396 = vector.broadcast %ge3A_395 : f32 to vector<8x1xf32>
      %ge3A_397 = arith.cmpf oge, %broadcast_in_dim3A_394, %ge3A_396 : vector<8x1xf32>
      %select_n3A_398 = arith.select %ge3A_397, %or3A_384, %select_n3A_381 : vector<8x1xi1>, vector<8x1xi32>
      %or3A_399 = arith.constant 1024 : i32
      %or3A_400 = vector.broadcast %or3A_399 : i32 to vector<8x1xi32>
      %or3A_401 = arith.ori %select_n3A_398, %or3A_400 : vector<8x1xi32>
      %xor3A_402 = arith.constant -2147483648 : i32
      %xor3A_403 = vector.broadcast %xor3A_402 : i32 to vector<8x1xi32>
      %xor3A_404 = arith.xori %or3A_401, %xor3A_403 : vector<8x1xi32>
      %ge3A_405 = vector.broadcast %xor3A_404 : vector<8x1xi32> to vector<8x576xi32>
      %ge3A_406 = arith.cmpi sge, %select_n3A, %ge3A_405 : vector<8x576xi32>
      %convert_element_type3A_407 = arith.extui %ge3A_406 : vector<8x576xi1> to vector<8x576xi32>
      %convert_element_type3A_408 = arith.sitofp %convert_element_type3A_407 : vector<8x576xi32> to vector<8x576xf32>
      %reduce_sum3A_409 = arith.constant dense<0.000000e+00> : vector<8xf32>
      %reduce_sum3A_410 = vector.multi_reduction <add>, %convert_element_type3A_408, %reduce_sum3A_409 [1] : vector<8x576xf32> to vector<8xf32>
      %broadcast_in_dim3A_411 = vector.shape_cast %reduce_sum3A_410 : vector<8xf32> to vector<8x1xf32>
      %ge3A_412 = arith.constant 2.880000e+02 : f32
      %ge3A_413 = vector.broadcast %ge3A_412 : f32 to vector<8x1xf32>
      %ge3A_414 = arith.cmpf oge, %broadcast_in_dim3A_411, %ge3A_413 : vector<8x1xf32>
      %select_n3A_415 = arith.select %ge3A_414, %or3A_401, %select_n3A_398 : vector<8x1xi1>, vector<8x1xi32>
      %or3A_416 = arith.constant 512 : i32
      %or3A_417 = vector.broadcast %or3A_416 : i32 to vector<8x1xi32>
      %or3A_418 = arith.ori %select_n3A_415, %or3A_417 : vector<8x1xi32>
      %xor3A_419 = arith.constant -2147483648 : i32
      %xor3A_420 = vector.broadcast %xor3A_419 : i32 to vector<8x1xi32>
      %xor3A_421 = arith.xori %or3A_418, %xor3A_420 : vector<8x1xi32>
      %ge3A_422 = vector.broadcast %xor3A_421 : vector<8x1xi32> to vector<8x576xi32>
      %ge3A_423 = arith.cmpi sge, %select_n3A, %ge3A_422 : vector<8x576xi32>
      %convert_element_type3A_424 = arith.extui %ge3A_423 : vector<8x576xi1> to vector<8x576xi32>
      %convert_element_type3A_425 = arith.sitofp %convert_element_type3A_424 : vector<8x576xi32> to vector<8x576xf32>
      %reduce_sum3A_426 = arith.constant dense<0.000000e+00> : vector<8xf32>
      %reduce_sum3A_427 = vector.multi_reduction <add>, %convert_element_type3A_425, %reduce_sum3A_426 [1] : vector<8x576xf32> to vector<8xf32>
      %broadcast_in_dim3A_428 = vector.shape_cast %reduce_sum3A_427 : vector<8xf32> to vector<8x1xf32>
      %ge3A_429 = arith.constant 2.880000e+02 : f32
      %ge3A_430 = vector.broadcast %ge3A_429 : f32 to vector<8x1xf32>
      %ge3A_431 = arith.cmpf oge, %broadcast_in_dim3A_428, %ge3A_430 : vector<8x1xf32>
      %select_n3A_432 = arith.select %ge3A_431, %or3A_418, %select_n3A_415 : vector<8x1xi1>, vector<8x1xi32>
      %or3A_433 = arith.constant 256 : i32
      %or3A_434 = vector.broadcast %or3A_433 : i32 to vector<8x1xi32>
      %or3A_435 = arith.ori %select_n3A_432, %or3A_434 : vector<8x1xi32>
      %xor3A_436 = arith.constant -2147483648 : i32
      %xor3A_437 = vector.broadcast %xor3A_436 : i32 to vector<8x1xi32>
      %xor3A_438 = arith.xori %or3A_435, %xor3A_437 : vector<8x1xi32>
      %ge3A_439 = vector.broadcast %xor3A_438 : vector<8x1xi32> to vector<8x576xi32>
      %ge3A_440 = arith.cmpi sge, %select_n3A, %ge3A_439 : vector<8x576xi32>
      %convert_element_type3A_441 = arith.extui %ge3A_440 : vector<8x576xi1> to vector<8x576xi32>
      %convert_element_type3A_442 = arith.sitofp %convert_element_type3A_441 : vector<8x576xi32> to vector<8x576xf32>
      %reduce_sum3A_443 = arith.constant dense<0.000000e+00> : vector<8xf32>
      %reduce_sum3A_444 = vector.multi_reduction <add>, %convert_element_type3A_442, %reduce_sum3A_443 [1] : vector<8x576xf32> to vector<8xf32>
      %broadcast_in_dim3A_445 = vector.shape_cast %reduce_sum3A_444 : vector<8xf32> to vector<8x1xf32>
      %ge3A_446 = arith.constant 2.880000e+02 : f32
      %ge3A_447 = vector.broadcast %ge3A_446 : f32 to vector<8x1xf32>
      %ge3A_448 = arith.cmpf oge, %broadcast_in_dim3A_445, %ge3A_447 : vector<8x1xf32>
      %select_n3A_449 = arith.select %ge3A_448, %or3A_435, %select_n3A_432 : vector<8x1xi1>, vector<8x1xi32>
      %or3A_450 = arith.constant 128 : i32
      %or3A_451 = vector.broadcast %or3A_450 : i32 to vector<8x1xi32>
      %or3A_452 = arith.ori %select_n3A_449, %or3A_451 : vector<8x1xi32>
      %xor3A_453 = arith.constant -2147483648 : i32
      %xor3A_454 = vector.broadcast %xor3A_453 : i32 to vector<8x1xi32>
      %xor3A_455 = arith.xori %or3A_452, %xor3A_454 : vector<8x1xi32>
      %ge3A_456 = vector.broadcast %xor3A_455 : vector<8x1xi32> to vector<8x576xi32>
      %ge3A_457 = arith.cmpi sge, %select_n3A, %ge3A_456 : vector<8x576xi32>
      %convert_element_type3A_458 = arith.extui %ge3A_457 : vector<8x576xi1> to vector<8x576xi32>
      %convert_element_type3A_459 = arith.sitofp %convert_element_type3A_458 : vector<8x576xi32> to vector<8x576xf32>
      %reduce_sum3A_460 = arith.constant dense<0.000000e+00> : vector<8xf32>
      %reduce_sum3A_461 = vector.multi_reduction <add>, %convert_element_type3A_459, %reduce_sum3A_460 [1] : vector<8x576xf32> to vector<8xf32>
      %broadcast_in_dim3A_462 = vector.shape_cast %reduce_sum3A_461 : vector<8xf32> to vector<8x1xf32>
      %ge3A_463 = arith.constant 2.880000e+02 : f32
      %ge3A_464 = vector.broadcast %ge3A_463 : f32 to vector<8x1xf32>
      %ge3A_465 = arith.cmpf oge, %broadcast_in_dim3A_462, %ge3A_464 : vector<8x1xf32>
      %select_n3A_466 = arith.select %ge3A_465, %or3A_452, %select_n3A_449 : vector<8x1xi1>, vector<8x1xi32>
      %or3A_467 = arith.constant 64 : i32
      %or3A_468 = vector.broadcast %or3A_467 : i32 to vector<8x1xi32>
      %or3A_469 = arith.ori %select_n3A_466, %or3A_468 : vector<8x1xi32>
      %xor3A_470 = arith.constant -2147483648 : i32
      %xor3A_471 = vector.broadcast %xor3A_470 : i32 to vector<8x1xi32>
      %xor3A_472 = arith.xori %or3A_469, %xor3A_471 : vector<8x1xi32>
      %ge3A_473 = vector.broadcast %xor3A_472 : vector<8x1xi32> to vector<8x576xi32>
      %ge3A_474 = arith.cmpi sge, %select_n3A, %ge3A_473 : vector<8x576xi32>
      %convert_element_type3A_475 = arith.extui %ge3A_474 : vector<8x576xi1> to vector<8x576xi32>
      %convert_element_type3A_476 = arith.sitofp %convert_element_type3A_475 : vector<8x576xi32> to vector<8x576xf32>
      %reduce_sum3A_477 = arith.constant dense<0.000000e+00> : vector<8xf32>
      %reduce_sum3A_478 = vector.multi_reduction <add>, %convert_element_type3A_476, %reduce_sum3A_477 [1] : vector<8x576xf32> to vector<8xf32>
      %broadcast_in_dim3A_479 = vector.shape_cast %reduce_sum3A_478 : vector<8xf32> to vector<8x1xf32>
      %ge3A_480 = arith.constant 2.880000e+02 : f32
      %ge3A_481 = vector.broadcast %ge3A_480 : f32 to vector<8x1xf32>
      %ge3A_482 = arith.cmpf oge, %broadcast_in_dim3A_479, %ge3A_481 : vector<8x1xf32>
      %select_n3A_483 = arith.select %ge3A_482, %or3A_469, %select_n3A_466 : vector<8x1xi1>, vector<8x1xi32>
      %or3A_484 = arith.constant 32 : i32
      %or3A_485 = vector.broadcast %or3A_484 : i32 to vector<8x1xi32>
      %or3A_486 = arith.ori %select_n3A_483, %or3A_485 : vector<8x1xi32>
      %xor3A_487 = arith.constant -2147483648 : i32
      %xor3A_488 = vector.broadcast %xor3A_487 : i32 to vector<8x1xi32>
      %xor3A_489 = arith.xori %or3A_486, %xor3A_488 : vector<8x1xi32>
      %ge3A_490 = vector.broadcast %xor3A_489 : vector<8x1xi32> to vector<8x576xi32>
      %ge3A_491 = arith.cmpi sge, %select_n3A, %ge3A_490 : vector<8x576xi32>
      %convert_element_type3A_492 = arith.extui %ge3A_491 : vector<8x576xi1> to vector<8x576xi32>
      %convert_element_type3A_493 = arith.sitofp %convert_element_type3A_492 : vector<8x576xi32> to vector<8x576xf32>
      %reduce_sum3A_494 = arith.constant dense<0.000000e+00> : vector<8xf32>
      %reduce_sum3A_495 = vector.multi_reduction <add>, %convert_element_type3A_493, %reduce_sum3A_494 [1] : vector<8x576xf32> to vector<8xf32>
      %broadcast_in_dim3A_496 = vector.shape_cast %reduce_sum3A_495 : vector<8xf32> to vector<8x1xf32>
      %ge3A_497 = arith.constant 2.880000e+02 : f32
      %ge3A_498 = vector.broadcast %ge3A_497 : f32 to vector<8x1xf32>
      %ge3A_499 = arith.cmpf oge, %broadcast_in_dim3A_496, %ge3A_498 : vector<8x1xf32>
      %select_n3A_500 = arith.select %ge3A_499, %or3A_486, %select_n3A_483 : vector<8x1xi1>, vector<8x1xi32>
      %or3A_501 = arith.constant 16 : i32
      %or3A_502 = vector.broadcast %or3A_501 : i32 to vector<8x1xi32>
      %or3A_503 = arith.ori %select_n3A_500, %or3A_502 : vector<8x1xi32>
      %xor3A_504 = arith.constant -2147483648 : i32
      %xor3A_505 = vector.broadcast %xor3A_504 : i32 to vector<8x1xi32>
      %xor3A_506 = arith.xori %or3A_503, %xor3A_505 : vector<8x1xi32>
      %ge3A_507 = vector.broadcast %xor3A_506 : vector<8x1xi32> to vector<8x576xi32>
      %ge3A_508 = arith.cmpi sge, %select_n3A, %ge3A_507 : vector<8x576xi32>
      %convert_element_type3A_509 = arith.extui %ge3A_508 : vector<8x576xi1> to vector<8x576xi32>
      %convert_element_type3A_510 = arith.sitofp %convert_element_type3A_509 : vector<8x576xi32> to vector<8x576xf32>
      %reduce_sum3A_511 = arith.constant dense<0.000000e+00> : vector<8xf32>
      %reduce_sum3A_512 = vector.multi_reduction <add>, %convert_element_type3A_510, %reduce_sum3A_511 [1] : vector<8x576xf32> to vector<8xf32>
      %broadcast_in_dim3A_513 = vector.shape_cast %reduce_sum3A_512 : vector<8xf32> to vector<8x1xf32>
      %ge3A_514 = arith.constant 2.880000e+02 : f32
      %ge3A_515 = vector.broadcast %ge3A_514 : f32 to vector<8x1xf32>
      %ge3A_516 = arith.cmpf oge, %broadcast_in_dim3A_513, %ge3A_515 : vector<8x1xf32>
      %select_n3A_517 = arith.select %ge3A_516, %or3A_503, %select_n3A_500 : vector<8x1xi1>, vector<8x1xi32>
      %or3A_518 = arith.constant 8 : i32
      %or3A_519 = vector.broadcast %or3A_518 : i32 to vector<8x1xi32>
      %or3A_520 = arith.ori %select_n3A_517, %or3A_519 : vector<8x1xi32>
      %xor3A_521 = arith.constant -2147483648 : i32
      %xor3A_522 = vector.broadcast %xor3A_521 : i32 to vector<8x1xi32>
      %xor3A_523 = arith.xori %or3A_520, %xor3A_522 : vector<8x1xi32>
      %ge3A_524 = vector.broadcast %xor3A_523 : vector<8x1xi32> to vector<8x576xi32>
      %ge3A_525 = arith.cmpi sge, %select_n3A, %ge3A_524 : vector<8x576xi32>
      %convert_element_type3A_526 = arith.extui %ge3A_525 : vector<8x576xi1> to vector<8x576xi32>
      %convert_element_type3A_527 = arith.sitofp %convert_element_type3A_526 : vector<8x576xi32> to vector<8x576xf32>
      %reduce_sum3A_528 = arith.constant dense<0.000000e+00> : vector<8xf32>
      %reduce_sum3A_529 = vector.multi_reduction <add>, %convert_element_type3A_527, %reduce_sum3A_528 [1] : vector<8x576xf32> to vector<8xf32>
      %broadcast_in_dim3A_530 = vector.shape_cast %reduce_sum3A_529 : vector<8xf32> to vector<8x1xf32>
      %ge3A_531 = arith.constant 2.880000e+02 : f32
      %ge3A_532 = vector.broadcast %ge3A_531 : f32 to vector<8x1xf32>
      %ge3A_533 = arith.cmpf oge, %broadcast_in_dim3A_530, %ge3A_532 : vector<8x1xf32>
      %select_n3A_534 = arith.select %ge3A_533, %or3A_520, %select_n3A_517 : vector<8x1xi1>, vector<8x1xi32>
      %or3A_535 = arith.constant 4 : i32
      %or3A_536 = vector.broadcast %or3A_535 : i32 to vector<8x1xi32>
      %or3A_537 = arith.ori %select_n3A_534, %or3A_536 : vector<8x1xi32>
      %xor3A_538 = arith.constant -2147483648 : i32
      %xor3A_539 = vector.broadcast %xor3A_538 : i32 to vector<8x1xi32>
      %xor3A_540 = arith.xori %or3A_537, %xor3A_539 : vector<8x1xi32>
      %ge3A_541 = vector.broadcast %xor3A_540 : vector<8x1xi32> to vector<8x576xi32>
      %ge3A_542 = arith.cmpi sge, %select_n3A, %ge3A_541 : vector<8x576xi32>
      %convert_element_type3A_543 = arith.extui %ge3A_542 : vector<8x576xi1> to vector<8x576xi32>
      %convert_element_type3A_544 = arith.sitofp %convert_element_type3A_543 : vector<8x576xi32> to vector<8x576xf32>
      %reduce_sum3A_545 = arith.constant dense<0.000000e+00> : vector<8xf32>
      %reduce_sum3A_546 = vector.multi_reduction <add>, %convert_element_type3A_544, %reduce_sum3A_545 [1] : vector<8x576xf32> to vector<8xf32>
      %broadcast_in_dim3A_547 = vector.shape_cast %reduce_sum3A_546 : vector<8xf32> to vector<8x1xf32>
      %ge3A_548 = arith.constant 2.880000e+02 : f32
      %ge3A_549 = vector.broadcast %ge3A_548 : f32 to vector<8x1xf32>
      %ge3A_550 = arith.cmpf oge, %broadcast_in_dim3A_547, %ge3A_549 : vector<8x1xf32>
      %select_n3A_551 = arith.select %ge3A_550, %or3A_537, %select_n3A_534 : vector<8x1xi1>, vector<8x1xi32>
      %or3A_552 = arith.constant 2 : i32
      %or3A_553 = vector.broadcast %or3A_552 : i32 to vector<8x1xi32>
      %or3A_554 = arith.ori %select_n3A_551, %or3A_553 : vector<8x1xi32>
      %xor3A_555 = arith.constant -2147483648 : i32
      %xor3A_556 = vector.broadcast %xor3A_555 : i32 to vector<8x1xi32>
      %xor3A_557 = arith.xori %or3A_554, %xor3A_556 : vector<8x1xi32>
      %ge3A_558 = vector.broadcast %xor3A_557 : vector<8x1xi32> to vector<8x576xi32>
      %ge3A_559 = arith.cmpi sge, %select_n3A, %ge3A_558 : vector<8x576xi32>
      %convert_element_type3A_560 = arith.extui %ge3A_559 : vector<8x576xi1> to vector<8x576xi32>
      %convert_element_type3A_561 = arith.sitofp %convert_element_type3A_560 : vector<8x576xi32> to vector<8x576xf32>
      %reduce_sum3A_562 = arith.constant dense<0.000000e+00> : vector<8xf32>
      %reduce_sum3A_563 = vector.multi_reduction <add>, %convert_element_type3A_561, %reduce_sum3A_562 [1] : vector<8x576xf32> to vector<8xf32>
      %broadcast_in_dim3A_564 = vector.shape_cast %reduce_sum3A_563 : vector<8xf32> to vector<8x1xf32>
      %ge3A_565 = arith.constant 2.880000e+02 : f32
      %ge3A_566 = vector.broadcast %ge3A_565 : f32 to vector<8x1xf32>
      %ge3A_567 = arith.cmpf oge, %broadcast_in_dim3A_564, %ge3A_566 : vector<8x1xf32>
      %select_n3A_568 = arith.select %ge3A_567, %or3A_554, %select_n3A_551 : vector<8x1xi1>, vector<8x1xi32>
      %or3A_569 = arith.constant 1 : i32
      %or3A_570 = vector.broadcast %or3A_569 : i32 to vector<8x1xi32>
      %or3A_571 = arith.ori %select_n3A_568, %or3A_570 : vector<8x1xi32>
      %xor3A_572 = arith.constant -2147483648 : i32
      %xor3A_573 = vector.broadcast %xor3A_572 : i32 to vector<8x1xi32>
      %xor3A_574 = arith.xori %or3A_571, %xor3A_573 : vector<8x1xi32>
      %ge3A_575 = vector.broadcast %xor3A_574 : vector<8x1xi32> to vector<8x576xi32>
      %ge3A_576 = arith.cmpi sge, %select_n3A, %ge3A_575 : vector<8x576xi32>
      %convert_element_type3A_577 = arith.extui %ge3A_576 : vector<8x576xi1> to vector<8x576xi32>
      %convert_element_type3A_578 = arith.sitofp %convert_element_type3A_577 : vector<8x576xi32> to vector<8x576xf32>
      %reduce_sum3A_579 = arith.constant dense<0.000000e+00> : vector<8xf32>
      %reduce_sum3A_580 = vector.multi_reduction <add>, %convert_element_type3A_578, %reduce_sum3A_579 [1] : vector<8x576xf32> to vector<8xf32>
      %broadcast_in_dim3A_581 = vector.shape_cast %reduce_sum3A_580 : vector<8xf32> to vector<8x1xf32>
      %ge3A_582 = arith.constant 2.880000e+02 : f32
      %ge3A_583 = vector.broadcast %ge3A_582 : f32 to vector<8x1xf32>
      %ge3A_584 = arith.cmpf oge, %broadcast_in_dim3A_581, %ge3A_583 : vector<8x1xf32>
      %select_n3A_585 = arith.select %ge3A_584, %or3A_571, %select_n3A_568 : vector<8x1xi1>, vector<8x1xi32>
      %xor3A_586 = arith.constant -2147483648 : i32
      %xor3A_587 = vector.broadcast %xor3A_586 : i32 to vector<8x1xi32>
      %xor3A_588 = arith.xori %select_n3A_585, %xor3A_587 : vector<8x1xi32>
      %gt3A = vector.broadcast %xor3A_588 : vector<8x1xi32> to vector<8x576xi32>
      %gt3A_589 = arith.cmpi sgt, %select_n3A, %gt3A : vector<8x576xi32>
      %eq3A_590 = vector.broadcast %xor3A_588 : vector<8x1xi32> to vector<8x576xi32>
      %eq3A_591 = arith.cmpi eq, %select_n3A, %eq3A_590 : vector<8x576xi32>
      %convert_element_type3A_592 = arith.extui %gt3A_589 : vector<8x576xi1> to vector<8x576xi32>
      %convert_element_type3A_593 = arith.sitofp %convert_element_type3A_592 : vector<8x576xi32> to vector<8x576xf32>
      %reduce_sum3A_594 = arith.constant dense<0.000000e+00> : vector<8xf32>
      %reduce_sum3A_595 = vector.multi_reduction <add>, %convert_element_type3A_593, %reduce_sum3A_594 [1] : vector<8x576xf32> to vector<8xf32>
      %broadcast_in_dim3A_596 = vector.shape_cast %reduce_sum3A_595 : vector<8xf32> to vector<8x1xf32>
      %sub3A_597 = arith.constant 2.880000e+02 : f32
      %sub3A_598 = vector.broadcast %sub3A_597 : f32 to vector<8x1xf32>
      %sub3A_599 = arith.subf %sub3A_598, %broadcast_in_dim3A_596 : vector<8x1xf32>
      %iota3A = tpu.iota {dimensions = array<i32: 1>} : vector<8x576xi32>
      %broadcast_in_dim3A_600 = arith.constant 0 : i32
      %broadcast_in_dim3A_601 = vector.broadcast %broadcast_in_dim3A_600 : i32 to vector<8x1xi32>
      %add3A_602 = arith.constant 512 : i32
      %add3A_603 = vector.broadcast %add3A_602 : i32 to vector<8x1xi32>
      %add3A_604 = arith.addi %broadcast_in_dim3A_601, %add3A_603 : vector<8x1xi32>
      %lt3A = vector.broadcast %add3A_604 : vector<8x1xi32> to vector<8x576xi32>
      %lt3A_605 = arith.cmpi slt, %iota3A, %lt3A : vector<8x576xi32>
      %and3A = arith.andi %eq3A_591, %lt3A_605 : vector<8x576xi1>
      %jit3A = arith.constant 1.000000e+00 : f32
      %jit3A_606 = arith.constant 0.000000e+00 : f32
      %broadcast_in_dim3A_607 = vector.broadcast %jit3A : f32 to vector<8x576xf32>
      %broadcast_in_dim3A_608 = vector.broadcast %jit3A_606 : f32 to vector<8x576xf32>
      %select_n3A_609 = arith.select %and3A, %broadcast_in_dim3A_607, %broadcast_in_dim3A_608 : vector<8x576xi1>, vector<8x576xf32>
      %reduce_sum3A_610 = arith.constant dense<0.000000e+00> : vector<8xf32>
      %reduce_sum3A_611 = vector.multi_reduction <add>, %select_n3A_609, %reduce_sum3A_610 [1] : vector<8x576xf32> to vector<8xf32>
      %broadcast_in_dim3A_612 = vector.shape_cast %reduce_sum3A_611 : vector<8xf32> to vector<8x1xf32>
      %lt3A_613 = arith.cmpf olt, %broadcast_in_dim3A_612, %sub3A_599 : vector<8x1xf32>
      %select_n3A_614 = arith.select %lt3A_613, %add3A_604, %broadcast_in_dim3A_601 : vector<8x1xi1>, vector<8x1xi32>
      %add3A_615 = arith.constant 256 : i32
      %add3A_616 = vector.broadcast %add3A_615 : i32 to vector<8x1xi32>
      %add3A_617 = arith.addi %select_n3A_614, %add3A_616 : vector<8x1xi32>
      %lt3A_618 = vector.broadcast %add3A_617 : vector<8x1xi32> to vector<8x576xi32>
      %lt3A_619 = arith.cmpi slt, %iota3A, %lt3A_618 : vector<8x576xi32>
      %and3A_620 = arith.andi %eq3A_591, %lt3A_619 : vector<8x576xi1>
      %jit3A_621 = arith.constant 1.000000e+00 : f32
      %jit3A_622 = arith.constant 0.000000e+00 : f32
      %broadcast_in_dim3A_623 = vector.broadcast %jit3A_621 : f32 to vector<8x576xf32>
      %broadcast_in_dim3A_624 = vector.broadcast %jit3A_622 : f32 to vector<8x576xf32>
      %select_n3A_625 = arith.select %and3A_620, %broadcast_in_dim3A_623, %broadcast_in_dim3A_624 : vector<8x576xi1>, vector<8x576xf32>
      %reduce_sum3A_626 = arith.constant dense<0.000000e+00> : vector<8xf32>
      %reduce_sum3A_627 = vector.multi_reduction <add>, %select_n3A_625, %reduce_sum3A_626 [1] : vector<8x576xf32> to vector<8xf32>
      %broadcast_in_dim3A_628 = vector.shape_cast %reduce_sum3A_627 : vector<8xf32> to vector<8x1xf32>
      %lt3A_629 = arith.cmpf olt, %broadcast_in_dim3A_628, %sub3A_599 : vector<8x1xf32>
      %select_n3A_630 = arith.select %lt3A_629, %add3A_617, %select_n3A_614 : vector<8x1xi1>, vector<8x1xi32>
      %add3A_631 = arith.constant 128 : i32
      %add3A_632 = vector.broadcast %add3A_631 : i32 to vector<8x1xi32>
      %add3A_633 = arith.addi %select_n3A_630, %add3A_632 : vector<8x1xi32>
      %lt3A_634 = vector.broadcast %add3A_633 : vector<8x1xi32> to vector<8x576xi32>
      %lt3A_635 = arith.cmpi slt, %iota3A, %lt3A_634 : vector<8x576xi32>
      %and3A_636 = arith.andi %eq3A_591, %lt3A_635 : vector<8x576xi1>
      %jit3A_637 = arith.constant 1.000000e+00 : f32
      %jit3A_638 = arith.constant 0.000000e+00 : f32
      %broadcast_in_dim3A_639 = vector.broadcast %jit3A_637 : f32 to vector<8x576xf32>
      %broadcast_in_dim3A_640 = vector.broadcast %jit3A_638 : f32 to vector<8x576xf32>
      %select_n3A_641 = arith.select %and3A_636, %broadcast_in_dim3A_639, %broadcast_in_dim3A_640 : vector<8x576xi1>, vector<8x576xf32>
      %reduce_sum3A_642 = arith.constant dense<0.000000e+00> : vector<8xf32>
      %reduce_sum3A_643 = vector.multi_reduction <add>, %select_n3A_641, %reduce_sum3A_642 [1] : vector<8x576xf32> to vector<8xf32>
      %broadcast_in_dim3A_644 = vector.shape_cast %reduce_sum3A_643 : vector<8xf32> to vector<8x1xf32>
      %lt3A_645 = arith.cmpf olt, %broadcast_in_dim3A_644, %sub3A_599 : vector<8x1xf32>
      %select_n3A_646 = arith.select %lt3A_645, %add3A_633, %select_n3A_630 : vector<8x1xi1>, vector<8x1xi32>
      %add3A_647 = arith.constant 64 : i32
      %add3A_648 = vector.broadcast %add3A_647 : i32 to vector<8x1xi32>
      %add3A_649 = arith.addi %select_n3A_646, %add3A_648 : vector<8x1xi32>
      %lt3A_650 = vector.broadcast %add3A_649 : vector<8x1xi32> to vector<8x576xi32>
      %lt3A_651 = arith.cmpi slt, %iota3A, %lt3A_650 : vector<8x576xi32>
      %and3A_652 = arith.andi %eq3A_591, %lt3A_651 : vector<8x576xi1>
      %jit3A_653 = arith.constant 1.000000e+00 : f32
      %jit3A_654 = arith.constant 0.000000e+00 : f32
      %broadcast_in_dim3A_655 = vector.broadcast %jit3A_653 : f32 to vector<8x576xf32>
      %broadcast_in_dim3A_656 = vector.broadcast %jit3A_654 : f32 to vector<8x576xf32>
      %select_n3A_657 = arith.select %and3A_652, %broadcast_in_dim3A_655, %broadcast_in_dim3A_656 : vector<8x576xi1>, vector<8x576xf32>
      %reduce_sum3A_658 = arith.constant dense<0.000000e+00> : vector<8xf32>
      %reduce_sum3A_659 = vector.multi_reduction <add>, %select_n3A_657, %reduce_sum3A_658 [1] : vector<8x576xf32> to vector<8xf32>
      %broadcast_in_dim3A_660 = vector.shape_cast %reduce_sum3A_659 : vector<8xf32> to vector<8x1xf32>
      %lt3A_661 = arith.cmpf olt, %broadcast_in_dim3A_660, %sub3A_599 : vector<8x1xf32>
      %select_n3A_662 = arith.select %lt3A_661, %add3A_649, %select_n3A_646 : vector<8x1xi1>, vector<8x1xi32>
      %add3A_663 = arith.constant 32 : i32
      %add3A_664 = vector.broadcast %add3A_663 : i32 to vector<8x1xi32>
      %add3A_665 = arith.addi %select_n3A_662, %add3A_664 : vector<8x1xi32>
      %lt3A_666 = vector.broadcast %add3A_665 : vector<8x1xi32> to vector<8x576xi32>
      %lt3A_667 = arith.cmpi slt, %iota3A, %lt3A_666 : vector<8x576xi32>
      %and3A_668 = arith.andi %eq3A_591, %lt3A_667 : vector<8x576xi1>
      %jit3A_669 = arith.constant 1.000000e+00 : f32
      %jit3A_670 = arith.constant 0.000000e+00 : f32
      %broadcast_in_dim3A_671 = vector.broadcast %jit3A_669 : f32 to vector<8x576xf32>
      %broadcast_in_dim3A_672 = vector.broadcast %jit3A_670 : f32 to vector<8x576xf32>
      %select_n3A_673 = arith.select %and3A_668, %broadcast_in_dim3A_671, %broadcast_in_dim3A_672 : vector<8x576xi1>, vector<8x576xf32>
      %reduce_sum3A_674 = arith.constant dense<0.000000e+00> : vector<8xf32>
      %reduce_sum3A_675 = vector.multi_reduction <add>, %select_n3A_673, %reduce_sum3A_674 [1] : vector<8x576xf32> to vector<8xf32>
      %broadcast_in_dim3A_676 = vector.shape_cast %reduce_sum3A_675 : vector<8xf32> to vector<8x1xf32>
      %lt3A_677 = arith.cmpf olt, %broadcast_in_dim3A_676, %sub3A_599 : vector<8x1xf32>
      %select_n3A_678 = arith.select %lt3A_677, %add3A_665, %select_n3A_662 : vector<8x1xi1>, vector<8x1xi32>
      %add3A_679 = arith.constant 16 : i32
      %add3A_680 = vector.broadcast %add3A_679 : i32 to vector<8x1xi32>
      %add3A_681 = arith.addi %select_n3A_678, %add3A_680 : vector<8x1xi32>
      %lt3A_682 = vector.broadcast %add3A_681 : vector<8x1xi32> to vector<8x576xi32>
      %lt3A_683 = arith.cmpi slt, %iota3A, %lt3A_682 : vector<8x576xi32>
      %and3A_684 = arith.andi %eq3A_591, %lt3A_683 : vector<8x576xi1>
      %jit3A_685 = arith.constant 1.000000e+00 : f32
      %jit3A_686 = arith.constant 0.000000e+00 : f32
      %broadcast_in_dim3A_687 = vector.broadcast %jit3A_685 : f32 to vector<8x576xf32>
      %broadcast_in_dim3A_688 = vector.broadcast %jit3A_686 : f32 to vector<8x576xf32>
      %select_n3A_689 = arith.select %and3A_684, %broadcast_in_dim3A_687, %broadcast_in_dim3A_688 : vector<8x576xi1>, vector<8x576xf32>
      %reduce_sum3A_690 = arith.constant dense<0.000000e+00> : vector<8xf32>
      %reduce_sum3A_691 = vector.multi_reduction <add>, %select_n3A_689, %reduce_sum3A_690 [1] : vector<8x576xf32> to vector<8xf32>
      %broadcast_in_dim3A_692 = vector.shape_cast %reduce_sum3A_691 : vector<8xf32> to vector<8x1xf32>
      %lt3A_693 = arith.cmpf olt, %broadcast_in_dim3A_692, %sub3A_599 : vector<8x1xf32>
      %select_n3A_694 = arith.select %lt3A_693, %add3A_681, %select_n3A_678 : vector<8x1xi1>, vector<8x1xi32>
      %add3A_695 = arith.constant 8 : i32
      %add3A_696 = vector.broadcast %add3A_695 : i32 to vector<8x1xi32>
      %add3A_697 = arith.addi %select_n3A_694, %add3A_696 : vector<8x1xi32>
      %lt3A_698 = vector.broadcast %add3A_697 : vector<8x1xi32> to vector<8x576xi32>
      %lt3A_699 = arith.cmpi slt, %iota3A, %lt3A_698 : vector<8x576xi32>
      %and3A_700 = arith.andi %eq3A_591, %lt3A_699 : vector<8x576xi1>
      %jit3A_701 = arith.constant 1.000000e+00 : f32
      %jit3A_702 = arith.constant 0.000000e+00 : f32
      %broadcast_in_dim3A_703 = vector.broadcast %jit3A_701 : f32 to vector<8x576xf32>
      %broadcast_in_dim3A_704 = vector.broadcast %jit3A_702 : f32 to vector<8x576xf32>
      %select_n3A_705 = arith.select %and3A_700, %broadcast_in_dim3A_703, %broadcast_in_dim3A_704 : vector<8x576xi1>, vector<8x576xf32>
      %reduce_sum3A_706 = arith.constant dense<0.000000e+00> : vector<8xf32>
      %reduce_sum3A_707 = vector.multi_reduction <add>, %select_n3A_705, %reduce_sum3A_706 [1] : vector<8x576xf32> to vector<8xf32>
      %broadcast_in_dim3A_708 = vector.shape_cast %reduce_sum3A_707 : vector<8xf32> to vector<8x1xf32>
      %lt3A_709 = arith.cmpf olt, %broadcast_in_dim3A_708, %sub3A_599 : vector<8x1xf32>
      %select_n3A_710 = arith.select %lt3A_709, %add3A_697, %select_n3A_694 : vector<8x1xi1>, vector<8x1xi32>
      %add3A_711 = arith.constant 4 : i32
      %add3A_712 = vector.broadcast %add3A_711 : i32 to vector<8x1xi32>
      %add3A_713 = arith.addi %select_n3A_710, %add3A_712 : vector<8x1xi32>
      %lt3A_714 = vector.broadcast %add3A_713 : vector<8x1xi32> to vector<8x576xi32>
      %lt3A_715 = arith.cmpi slt, %iota3A, %lt3A_714 : vector<8x576xi32>
      %and3A_716 = arith.andi %eq3A_591, %lt3A_715 : vector<8x576xi1>
      %jit3A_717 = arith.constant 1.000000e+00 : f32
      %jit3A_718 = arith.constant 0.000000e+00 : f32
      %broadcast_in_dim3A_719 = vector.broadcast %jit3A_717 : f32 to vector<8x576xf32>
      %broadcast_in_dim3A_720 = vector.broadcast %jit3A_718 : f32 to vector<8x576xf32>
      %select_n3A_721 = arith.select %and3A_716, %broadcast_in_dim3A_719, %broadcast_in_dim3A_720 : vector<8x576xi1>, vector<8x576xf32>
      %reduce_sum3A_722 = arith.constant dense<0.000000e+00> : vector<8xf32>
      %reduce_sum3A_723 = vector.multi_reduction <add>, %select_n3A_721, %reduce_sum3A_722 [1] : vector<8x576xf32> to vector<8xf32>
      %broadcast_in_dim3A_724 = vector.shape_cast %reduce_sum3A_723 : vector<8xf32> to vector<8x1xf32>
      %lt3A_725 = arith.cmpf olt, %broadcast_in_dim3A_724, %sub3A_599 : vector<8x1xf32>
      %select_n3A_726 = arith.select %lt3A_725, %add3A_713, %select_n3A_710 : vector<8x1xi1>, vector<8x1xi32>
      %add3A_727 = arith.constant 2 : i32
      %add3A_728 = vector.broadcast %add3A_727 : i32 to vector<8x1xi32>
      %add3A_729 = arith.addi %select_n3A_726, %add3A_728 : vector<8x1xi32>
      %lt3A_730 = vector.broadcast %add3A_729 : vector<8x1xi32> to vector<8x576xi32>
      %lt3A_731 = arith.cmpi slt, %iota3A, %lt3A_730 : vector<8x576xi32>
      %and3A_732 = arith.andi %eq3A_591, %lt3A_731 : vector<8x576xi1>
      %jit3A_733 = arith.constant 1.000000e+00 : f32
      %jit3A_734 = arith.constant 0.000000e+00 : f32
      %broadcast_in_dim3A_735 = vector.broadcast %jit3A_733 : f32 to vector<8x576xf32>
      %broadcast_in_dim3A_736 = vector.broadcast %jit3A_734 : f32 to vector<8x576xf32>
      %select_n3A_737 = arith.select %and3A_732, %broadcast_in_dim3A_735, %broadcast_in_dim3A_736 : vector<8x576xi1>, vector<8x576xf32>
      %reduce_sum3A_738 = arith.constant dense<0.000000e+00> : vector<8xf32>
      %reduce_sum3A_739 = vector.multi_reduction <add>, %select_n3A_737, %reduce_sum3A_738 [1] : vector<8x576xf32> to vector<8xf32>
      %broadcast_in_dim3A_740 = vector.shape_cast %reduce_sum3A_739 : vector<8xf32> to vector<8x1xf32>
      %lt3A_741 = arith.cmpf olt, %broadcast_in_dim3A_740, %sub3A_599 : vector<8x1xf32>
      %select_n3A_742 = arith.select %lt3A_741, %add3A_729, %select_n3A_726 : vector<8x1xi1>, vector<8x1xi32>
      %add3A_743 = arith.constant 1 : i32
      %add3A_744 = vector.broadcast %add3A_743 : i32 to vector<8x1xi32>
      %add3A_745 = arith.addi %select_n3A_742, %add3A_744 : vector<8x1xi32>
      %lt3A_746 = vector.broadcast %add3A_745 : vector<8x1xi32> to vector<8x576xi32>
      %lt3A_747 = arith.cmpi slt, %iota3A, %lt3A_746 : vector<8x576xi32>
      %and3A_748 = arith.andi %eq3A_591, %lt3A_747 : vector<8x576xi1>
      %jit3A_749 = arith.constant 1.000000e+00 : f32
      %jit3A_750 = arith.constant 0.000000e+00 : f32
      %broadcast_in_dim3A_751 = vector.broadcast %jit3A_749 : f32 to vector<8x576xf32>
      %broadcast_in_dim3A_752 = vector.broadcast %jit3A_750 : f32 to vector<8x576xf32>
      %select_n3A_753 = arith.select %and3A_748, %broadcast_in_dim3A_751, %broadcast_in_dim3A_752 : vector<8x576xi1>, vector<8x576xf32>
      %reduce_sum3A_754 = arith.constant dense<0.000000e+00> : vector<8xf32>
      %reduce_sum3A_755 = vector.multi_reduction <add>, %select_n3A_753, %reduce_sum3A_754 [1] : vector<8x576xf32> to vector<8xf32>
      %broadcast_in_dim3A_756 = vector.shape_cast %reduce_sum3A_755 : vector<8xf32> to vector<8x1xf32>
      %lt3A_757 = arith.cmpf olt, %broadcast_in_dim3A_756, %sub3A_599 : vector<8x1xf32>
      %select_n3A_758 = arith.select %lt3A_757, %add3A_745, %select_n3A_742 : vector<8x1xi1>, vector<8x1xi32>
      %add3A_759 = arith.constant 1 : i32
      %add3A_760 = vector.broadcast %add3A_759 : i32 to vector<8x1xi32>
      %add3A_761 = arith.addi %select_n3A_758, %add3A_760 : vector<8x1xi32>
      %lt3A_762 = vector.broadcast %add3A_761 : vector<8x1xi32> to vector<8x576xi32>
      %lt3A_763 = arith.cmpi slt, %iota3A, %lt3A_762 : vector<8x576xi32>
      %and3A_764 = arith.andi %eq3A_591, %lt3A_763 : vector<8x576xi1>
      %or3A_765 = arith.ori %gt3A_589, %and3A_764 : vector<8x576xi1>
      %get3A_766 = arith.constant 0 : index
      %get3A_767 = arith.constant 0 : index
      %get3A_768 = vector.load %arg6[%get3A_766, %get3A_767] : memref<8x576xf32, #tpu.memory_space<vmem>>, vector<8x576xf32>
      %jit3A_769 = arith.constant 0.000000e+00 : f32
      %broadcast_in_dim3A_770 = vector.broadcast %jit3A_769 : f32 to vector<8x576xf32>
      %select_n3A_771 = arith.select %or3A_765, %get3A_768, %broadcast_in_dim3A_770 : vector<8x576xi1>, vector<8x576xf32>
      %reduce_sum3A_772 = vector.shape_cast %select_n3A_771 : vector<8x576xf32> to vector<1x8x576xf32>
      %reduce_sum3A_773 = arith.constant dense<0.000000e+00> : vector<1xf32>
      %reduce_sum3A_774 = vector.multi_reduction <add>, %reduce_sum3A_772, %reduce_sum3A_773 [1, 2] : vector<1x8x576xf32> to vector<1xf32>
      %reduce_sum3A_775 = vector.shape_cast %reduce_sum3A_774 : vector<1xf32> to vector<1x1x1xf32>
      %reduce_sum3A_776 = vector.extract %reduce_sum3A_775[0, 0, 0] : f32 from vector<1x1x1xf32>
      %broadcast_in_dim3A_777 = vector.broadcast %reduce_sum3A_776 : f32 to vector<1x1xf32>
      %swap3A_778 = arith.constant 0 : index
      %swap3A_779 = arith.constant 0 : index
      %swap3A_780 = vector.load %arg5[%swap3A_778, %swap3A_779] : memref<1x1xf32, #tpu.memory_space<vmem>>, vector<1x1xf32>
      tpu.vector_store %arg5[%swap3A_778, %swap3A_779], %broadcast_in_dim3A_777 {strides = array<i32>} : memref<1x1xf32, #tpu.memory_space<vmem>>, vector<1x1xf32>,
    } else {
    }
    return
  }
  func.func @transform_0(%arg0: i32) -> (i32, i32, i32) {
    %c0_i32 = arith.constant 0 : i32
    %c0_i32_0 = arith.constant 0 : i32
    %c0_i32_1 = arith.constant 0 : i32
    return %arg0, %c0_i32, %c0_i32_0 : i32, i32, i32
  }
  func.func @transform_1(%arg0: i32) -> (i32, i32, i32) {
    %c0_i32 = arith.constant 0 : i32
    %c0_i32_0 = arith.constant 0 : i32
    %c0_i32_1 = arith.constant 0 : i32
    return %arg0, %c0_i32, %c0_i32_0 : i32, i32, i32
  }
  func.func @transform_2(%arg0: i32) -> (i32, i32, i32) {
    %c0_i32 = arith.constant 0 : i32
    %c0_i32_0 = arith.constant 0 : i32
    %c0_i32_1 = arith.constant 0 : i32
    return %arg0, %c0_i32, %c0_i32_0 : i32, i32, i32
  }
  func.func @transform_3(%arg0: i32) -> (i32, i32, i32) {
    %c0_i32 = arith.constant 0 : i32
    %c0_i32_0 = arith.constant 0 : i32
    %c0_i32_1 = arith.constant 0 : i32
    return %arg0, %c0_i32, %c0_i32_0 : i32, i32, i32
  }
  func.func @transform_4(%arg0: i32) -> (i32, i32) {
    %c0_i32 = arith.constant 0 : i32
    %c0_i32_0 = arith.constant 0 : i32
    %c0_i32_1 = arith.constant 0 : i32
    return %c0_i32, %c0_i32_0 : i32, i32
  }
}

</mosaic_0001>

<sc_bundles>
// kernel: kernel.5.cloned.1.call-start
scs
__scs_entry_jumppad:
0x0: {  	(pc) =	sbr.rel $0x88, $3  }
0x1: {  	(tag) =	ssettag $0x0;
	lr =	simm.s32 $0x1  }
0x2: {  	[smem:$0x3F9E] =	sst lr;
	_ =	strace $0xD0000000  }
0x3: {  	_ = 	snop  }
0x4: {  	_ = 	snop  }
0x5: {  	_ = 	snop  }
0x6: {  	_ = 	snop  }
0x7: {  	_ = 	snop  }
__scs_overlays_trampoline_lowered:
0x8: {  	[smem:$0x3FAD] =	sst s0  }
0x9: {  	[smem:$0x3FAE] =	sst s1  }
0xa: {  	[smem:$0x3FAF] =	sst s2  }
0xb: {  	[smem:$0x3FB0] =	sst s3  }
0xc: {  	[smem:$0x3FB1] =	sst s4  }
0xd: {  	[smem:$0x3FB2] =	sst s5  }
0xe: {  	[smem:$0x3FB3] =	sst s6  }
0xf: {  	[smem:$0x3FB4] =	sst s7  }
0x10: {  	[smem:$0x3FB5] =	sst s8  }
0x11: {  	[smem:$0x3FB6] =	sst s9;
	s0 =	simm.s32 @!p0 $0x0  }
0x12: {  	s1 =	sld [smem:$0x3F9C];
	s0 =	simm.s32 @p0 $0x1  }
0x13: {  	[smem:$0x3FB7] =	sst s0;
	s0 =	simm.s32 @!p1 $0x0  }
0x14: {  	s2 =	sld [smem:$0x3F9B];
	s0 =	simm.s32 @p1 $0x1  }
0x15: {  	[smem:$0x3FB8] =	sst s0;
	s0 =	simm.s32 @!p2 $0x0  }
0x16: {  	s3 =	sld [smem:$0x3FDB];
	s0 =	simm.s32 @p2 $0x1  }
0x17: {  	s4 =	simm.s32 $0x1BF5;
	[smem:$0x3FBA] =	sst s0  }
0x18: {  	s0 =	sld [smem:$0x3F9D];
	_ =	swait.ge [sflag:s4], $0x0  }
0x19: {  	s7 =	sld [smem:$0x3F9E]  }
0x1a: {  	s8 =	sadd.s32 $0xFFFFE003, lr  }
0x1b: {  	s9 =	sadd.s32 $0xFFFFFEF7, lr;
	s5 =	simm.s32 $0xFFFFFFFF;
	p2 =	slt.u32 s8, $0xFFFFF086  }
0x1c: {  	p1 =	slt.u32 s9, $0xF7A;
	s5 =	simm.s32 @!p2 $0x0  }
0x1d: {  	s5 =	simm.s32 @p1 $0x1;
	p0 =	seq.s32 s7, s2  }
0x1e: {  	s7 =	smul.u32 @!p0 $0xF7A, s2;
	p2 =	seq.s32 @!p0 s5, $0x0  }
0x1f: {  	s9 =	smul.u32 $0xF7A, s1;
	s8 =	simm.s32 @!p0 $0x1BF5;
	p2 =	por !p2, p0  }
0x20: {  	[sflag:s8] =	ssyncset.s32 @!p0 $0xFFFFF086;
	s6 =	sadd.s32 @!p0 s3, s7;
	s7 =	simm.s32 @!p0 $0x108  }
0x21: {  	s3 =	sadd.s32 s3, s9;
	s6 =	sadd.s32 @!p0 $0x88, s6;
	s7 =	simm.s32 @p2 $0x1082  }
0x22: {  	[simem:s7], [sflag:s8] =	dma.local @!p0 [hbm:s6], $0xF7A  }
0x23: {  	s9 =	sor.u32 $0xD0000000, s2;
	s6 =	simm.s32 $0x108;
	_ =	swait.ge @!p0 [sflag:s8], $0x0  }
0x24: {  	s3 =	sadd.s32 $0x88, s3;
	s6 =	simm.s32 @!p1 $0x1082;
	[sflag:s4] =	ssyncset.s32 $0xFFFFF086  }
0x25: {  	[simem:s6], [sflag:s4] =	dma.local [hbm:s3], $0xF7A  }
0x26: {  	[smem:$0x3F9E] =	sst s1;
	(tag) =	ssettag s2;
	_ =	strace s9  }
0x27: {  	s1 =	sld [smem:$0x3FAE]  }
0x28: {  	s2 =	sld [smem:$0x3FAF]  }
0x29: {  	s4 =	sld [smem:$0x3FB1]  }
0x2a: {  	p0 =	seq.s32 s5, $0x0;
	s5 =	sld [smem:$0x3FB2]  }
0x2b: {  	s6 =	sld [smem:$0x3FB3]  }
0x2c: {  	s7 =	sld [smem:$0x3FB4]  }
0x2d: {  	s3 =	simm.s32 $0x108;
	s8 =	sld [smem:$0x3FB5]  }
0x2e: {  	s3 =	simm.s32 @!p0 $0x1082;
	s9 =	sld [smem:$0x3FB6]  }
0x2f: {  	lr =	sadd.s32 s0, s3;
	s0 =	sld [smem:$0x3FAD]  }
0x30: {  	s3 =	sld [smem:$0x3FB0]  }
0x31: {  	[smem:$0x3FB9] =	sst s10  }
0x32: {  	s10 =	sld [smem:$0x3FB7];
	_ =	sdelay $0x3  }
0x33: {  	p0 =	seq.s32 s10, $0x1;
	s10 =	sld [smem:$0x3FB9];
	_ =	sdelay $0x3  }
0x34: {  	[smem:$0x3FB9] =	sst s10  }
0x35: {  	s10 =	sld [smem:$0x3FB8];
	_ =	sdelay $0x3  }
0x36: {  	p1 =	seq.s32 s10, $0x1;
	s10 =	sld [smem:$0x3FB9];
	_ =	sdelay $0x3  }
0x37: {  	[smem:$0x3FB9] =	sst s10  }
0x38: {  	s10 =	sld [smem:$0x3FBA]  }
0x39: {  	_ = 	snop;
	(pc) =	sbr.ind lr, $3  }
0x3a: {  	_ = 	snop  }
0x3b: {  	_ = 	snop  }
0x3c: {  	p2 =	seq.s32 s10, $0x1;
	s10 =	sld [smem:$0x3FB9]  }
0x3d: {  	_ =	shalt  }
0x3e: {  	_ =	shalt  }
0x3f: {  	_ =	shalt  }
0x40: {  	_ =	shalt  }
0x41: {  	_ =	shalt  }
0x42: {  	_ =	shalt  }
0x43: {  	_ =	shalt  }
0x44: {  	_ =	shalt  }
0x45: {  	_ =	shalt  }
0x46: {  	_ =	shalt  }
0x47: {  	_ =	shalt  }
0x48: {  	_ =	shalt  }
0x49: {  	_ =	shalt  }
0x4a: {  	_ =	shalt  }
0x4b: {  	_ =	shalt  }
0x4c: {  	_ =	shalt  }
0x4d: {  	_ =	shalt  }
0x4e: {  	_ =	shalt  }
0x4f: {  	_ =	shalt  }
0x50: {  	_ =	shalt  }
0x51: {  	_ =	shalt  }
0x52: {  	_ =	shalt  }
0x53: {  	_ =	shalt  }
0x54: {  	_ =	shalt  }
0x55: {  	_ =	shalt  }
0x56: {  	_ =	shalt  }
0x57: {  	_ =	shalt  }
0x58: {  	_ =	shalt  }
0x59: {  	_ =	shalt  }
0x5a: {  	_ =	shalt  }
0x5b: {  	_ =	shalt  }
0x5c: {  	_ =	shalt  }
0x5d: {  	_ =	shalt  }
0x5e: {  	_ =	shalt  }
0x5f: {  	_ =	shalt  }
0x60: {  	_ =	shalt  }
0x61: {  	_ =	shalt  }
0x62: {  	_ =	shalt  }
0x63: {  	_ =	shalt  }
0x64: {  	_ =	shalt  }
0x65: {  	_ =	shalt  }
0x66: {  	_ =	shalt  }
0x67: {  	_ =	shalt  }
0x68: {  	_ =	shalt  }
0x69: {  	_ =	shalt  }
0x6a: {  	_ =	shalt  }
0x6b: {  	_ =	shalt  }
0x6c: {  	_ =	shalt  }
0x6d: {  	_ =	shalt  }
0x6e: {  	_ =	shalt  }
0x6f: {  	_ =	shalt  }
0x70: {  	_ =	shalt  }
0x71: {  	_ =	shalt  }
0x72: {  	_ =	shalt  }
0x73: {  	_ =	shalt  }
0x74: {  	_ =	shalt  }
0x75: {  	_ =	shalt  }
0x76: {  	_ =	shalt  }
0x77: {  	_ =	shalt  }
0x78: {  	_ =	shalt  }
0x79: {  	_ =	shalt  }
0x7a: {  	_ =	shalt  }
0x7b: {  	_ =	shalt  }
0x7c: {  	_ =	shalt  }
0x7d: {  	_ =	shalt  }
0x7e: {  	_ =	shalt  }
0x7f: {  	_ =	shalt  }
0x80: {  	_ =	shalt  }
0x81: {  	_ =	shalt  }
0x82: {  	_ =	shalt  }
0x83: {  	_ =	shalt  }
0x84: {  	_ =	shalt  }
0x85: {  	_ =	shalt  }
0x86: {  	_ =	shalt  }
0x87: {  	_ =	shalt  }
.Lfunc_end0:
.L_simem_size_0:
called_computation_lowered:
.L_overlay_start_0:
0x88: {  	s2 =	sld [smem:$0x3FD9]  }
0x89: {  	s3 =	sld [smem:$0x3FFE];
	_ =	sdelay $0x1  }
0x8a: {  	s1 =	srdreg.scid  }
0x8b: {  	s0 =	sand.u32 $0x1, s1  }
0x8c: {  	s17 =	sshll.u32 s0, $0xA;
	s2 =	sadd.s32 s3, s2  }
0x8d: {  	s2 =	sadd.s32 s2, s17  }
0x8e: {  	[smem:$0x3FC5] =	sst s2  }
0x8f: {  	_ = 	snop  }
0x90: {  	s2 =	sld [smem:$0x3FC9]  }
0x91: {  	s18 =	sld [smem:$0x3FC8];
	(tm) =	ssettm $0x1  }
0x92: {  	s4 =	sld [smem:$0x3FFB];
	_ =	sdelay $0x3  }
0x93: {  	_ =	strace s4  }
0x94: {  	s4 =	sld [smem:$0x3FFC];
	_ =	sdelay $0x3  }
0x95: {  	_ =	strace s4  }
0x96: {  	s4 =	sld [smem:$0x3FFD];
	_ =	sdelay $0x3  }
0x97: {  	_ =	strace s4  }
0x98: {  	_ =	strace $0x8FFFFFFF  }
0x99: {  	s19 =	sld [smem:$0x3FDB];
	_ =	sdelay $0x1  }
0x9a: {  	s5 =	simm.s32 $_scs_section_size  }
0x9b: {  	s6 =	simm.s32 $_size__tile_overlayer_lowered;
	s7 =	simm.s32 $_tile_overlayer_lowered  }
0x9c: {  	s22 =	simm.s32 $0x1BFF;
	s21 =	sshll.u32 s7, $0x1;
	s4 =	sadd.s32 s5, s19  }
0x9d: {  	s8 =	simm.s32 $0x0;
	s20 =	sshll.u32 s6, $0x1;
	s6 =	sadd.s32 s21, s4  }
0x9e: {  	[timem:s8], [sflag:s22] =	dma.local [hbm:s6], s20  }
0x9f: {  	_ =	swait.ge [sflag:s22], s20  }
0xa0: {  	s5 =	ssub.s32 $0x0, s20;
	[sflag:s22] =	ssyncset.done $0x0  }
0xa1: {  	[sflag:s22] =	ssyncadd.s32 s5;
	_ =	sdelay $0x1  }
0xa2: {  	s23 =	simm.s32 $0x1B8B  }
0xa3: {  	_ =	swait.ge [sflag:s23], $0x1  }
0xa4: {  	[sflag:s23] =	ssyncset.done $0x0  }
0xa5: {  	s25 =	simm.s32 $0x1B8E;
	s24 =	sld [smem:$0x3FFE];
	[sflag:s23] =	ssyncadd.s32 $0xFFFFFFFF  }
0xa6: {  	s26 =	simm.s32 $execute0_lowered;
	[smem:$0x3FD2] =	sst s25  }
0xa7: {  	s6 =	sshll.u32 s26, $0x1;
	_ =	strace $0x80000046;
	[dreg:$0x1] =	wrdreg $0xFFFFFFFF  }
0xa8: {  	s28 =	simm.s32 $_size_execute0_lowered;
	s4 =	sadd.s32 s4, s6;
	[dreg:$0x0] =	wrdreg $0x0  }
0xa9: {  	s6 =	sshll.u32 s28, $0x1;
	[dreg:$0x2] =	wrdreg s4  }
0xaa: {  	[dreg:$0x3] =	wrdreg s6  }
0xab: {  	[dreg:$0x4] =	wrdreg $0xC0  }
0xac: {  	_ =	task [dreg:s8], $0x5FFFF  }
0xad: {  	[dreg:$0x1] =	wrdreg $0xFFFFFFFF  }
0xae: {  	[dreg:$0x0] =	wrdreg $0x60  }
0xaf: {  	[dreg:$0x2] =	wrdreg s2  }
0xb0: {  	[dreg:$0x3] =	wrdreg s18  }
0xb1: {  	[dreg:$0x4] =	wrdreg s24  }
0xb2: {  	[dreg:$0x5] =	wrdreg $0x9  }
0xb3: {  	_ =	task.clear_ibuf [dreg:s8], $0x6FFFF;
	_ =	strace $0x90000046  }
0xb4: {  	s29 =	simm.s32 $0x9;
	_ =	strace $0x80000048  }
0xb5: {  	_ =	swait.ge [sflag:s29], $0x1  }
0xb6: {  	[sflag:s29] =	ssyncadd.s32 $0xFFFFFFFF  }
0xb7: {  	_ =	strace $0x90000048  }
0xb8: {  	_ =	sfence  }
0xb9: {  	s30 =	sld [smem:$0x0];
	_ =	sdelay $0x2  }
0xba: {  	s31 =	sshll.u32 s1, $0xD;
	s1 =	sshrl.u32 s1, $0x2  }
0xbb: {  	s3 =	sand.u32 $0x4000, s31;
	s1 =	sadd.s32 s1, s30  }
0xbc: {  	s0 =	sor.u32 s3, s0;
	s1 =	sshll.u32 s1, $0x11  }
0xbd: {  	s0 =	sor.u32 s1, s0  }
0xbe: {  	s0 =	sadd.s32 $0x8F2B, s0  }
0xbf: {  	[sflag:s0] =	ssyncadd.remote.s32 $0x1  }
0xc0: {  	_ =	sfence.sel $0xFFFF  }
0xc1: {  	[dreg:$0x0] =	wrdreg $0xFFFFFFFF;
	(pc) =	sbr.abs _section_cstart, $3  }
0xc2: {  	[dreg:$0x1] =	wrdreg $0xFFFFFFFF  }
0xc3: {  	_ =	task.clear_ibuf [dreg:s8], $0x2FFFF;
	_ =	strace $0x9FFFFFFF  }
0xc4: {  	(tm) =	ssettm $0x7FFFFFFF  }
0xc5: {  	_ =	shalt  }
tec
execute0_lowered:
.L_overlay_start_1:
0x0: {  	(tag) =	ssettag $0x1  }
0x1: {  	s1 =	srdreg.scid  }
0x2: {  	s0 =	stileid.u32;
	s5 =	rddreg [dreg:$0x0]  }
0x3: {  	s3 =	sand.u32 $0x1, s1;
	s28 =	sshll.u32 s0, $0x1;
	s2 =	sshrl.u32 s0, $0x1  }
0x4: {  	s6 =	rddreg [dreg:$0x1];
	s4 =	sor.u32 s3, s28;
	s29 =	sshll.u32 s2, $0x2  }
0x5: {  	s8 =	rddreg [dreg:$0x2];
	s7 =	smul.u32 $0x900, s2;
	s1 =	ssub.s32 s4, s29  }
0x6: {  	s11 =	simm.s32 $0x12000;
	s2 =	simm.s32 $0x0;
	s9 =	smul.u32 $0x90, s1  }
0x7: {  	s12 =	simm.s32 $0x0;
	s3 =	ssub.s32 $0x2, s3;
	[smem:$0x7FF] =	sst s2  }
0x8: {  	s4 =	smul.u32 $0x1200, s4;
	s30 =	sshrl.u32 s3, $0x1;
	s7 =	sadd.s32 s7, s9  }
0x9: {  	s1 =	rddreg [dreg:$0x3];
	_ =	strace $0x80000047;
	s7 =	sshll.u32 s7, $0x5  }
0xa: {  	s10 =	ssub.s32 s3, s30;
	s8 =	sadd.s32 s4, s8;
	s31 =	sadd.s32 $0x9000, s7  }
0xb: {  	s9 =	simm.s32 $0x1;
	s7 =	sadd.s32 $0xD800, s7;
	s3 =	sadd.s32 s5, s31  }
0xc: {  	s4 =	sadd.s32 s6, s31;
	s5 =	sadd.s32 s5, s7;
	s6 =	sadd.s32 s6, s7  }
0xd: {  	s7 =	sadd.s32 $0x1E00, s8;
	s8 =	smax.u32 s10, $0x1;
	s10 =	simm.s32 $0x9000  }
.LBB2_1:
0xe: {  	[tilespmem:s2], [sflag:$0x1] =	stream.linear.gather [hbm4b:s3+s2], $0x9000, $0x38;
	[tilespmem:$0x1B000] =	vst v63  }
0xf: {  	_ =	swait.ge [sflag:s9], $0x9000  }
0x10: {  	[sflag:s9] =	ssyncset.done $0x0  }
0x11: {  	[sflag:s9] =	ssyncadd.s32 $0xFFFF7000  }
0x12: {  	[tilespmem:s10], [sflag:$0x1] =	stream.linear.gather [hbm4b:s4+s2], $0x9000, $0x38;
	[tilespmem:$0x1B000] =	vst v63  }
0x13: {  	_ =	swait.ge [sflag:s9], $0x9000  }
0x14: {  	s13 =	sand.u32 $0xF800, s2;
	s14 =	sand.u32 $0x380, s2;
	[sflag:s9] =	ssyncset.done $0x0  }
0x15: {  	s13 =	sor.u32 s14, s13;
	[sflag:s9] =	ssyncadd.s32 $0xFFFF7000  }
0x16: {  	v0 =	vld [tilespmem:s13+$0x430]  }
0x17: {  	v1 =	vld [tilespmem:s13+$0x9430]  }
0x18: {  	v2 =	vld [tilespmem:s13+$0x0]  }
0x19: {  	v3 =	vld [tilespmem:s13+$0x9000]  }
0x1a: {  	v4 =	vld [tilespmem:s13+$0x10]  }
0x1b: {  	v5 =	vld [tilespmem:s13+$0x9010]  }
0x1c: {  	v6 =	vld [tilespmem:s13+$0x20]  }
0x1d: {  	v7 =	vld [tilespmem:s13+$0x30]  }
0x1e: {  	v0 =	vsub.f32 v0, v1;
	v1 =	vld [tilespmem:s13+$0x9020]  }
0x1f: {  	v2 =	vsub.f32 v2, v3;
	v3 =	vld [tilespmem:s13+$0x9030]  }
0x20: {  	v4 =	vsub.f32 v4, v5;
	v5 =	vld [tilespmem:s13+$0x50];
	v0 =	vand.u32 $0x7FFFFFFF, v0  }
0x21: {  	[tilespmem:s13+$0x12430] =	vst v0;
	v0 =	vand.u32 $0x7FFFFFFF, v2;
	v2 =	vld [tilespmem:s13+$0x40]  }
0x22: {  	v4 =	vand.u32 $0x7FFFFFFF, v4;
	[tilespmem:s13+$0x12000] =	vst v0;
	v0 =	vld [tilespmem:s13+$0x9040]  }
0x23: {  	[tilespmem:s13+$0x12010] =	vst v4;
	v4 =	vld [tilespmem:s13+$0x9050]  }
0x24: {  	v1 =	vsub.f32 v6, v1;
	v6 =	vld [tilespmem:s13+$0x60]  }
0x25: {  	v3 =	vsub.f32 v7, v3;
	v7 =	vld [tilespmem:s13+$0x9060]  }
0x26: {  	v8 =	vld [tilespmem:s13+$0x70]  }
0x27: {  	v9 =	vld [tilespmem:s13+$0x9070];
	v1 =	vand.u32 $0x7FFFFFFF, v1;
	v0 =	vsub.f32 v2, v0  }
0x28: {  	[tilespmem:s13+$0x12020] =	vst v1;
	v1 =	vand.u32 $0x7FFFFFFF, v3;
	v3 =	vld [tilespmem:s13+$0x9400]  }
0x29: {  	[tilespmem:s13+$0x12030] =	vst v1;
	v2 =	vsub.f32 v5, v4;
	v1 =	vand.u32 $0x7FFFFFFF, v0;
	v0 =	vld [tilespmem:s13+$0x400]  }
0x2a: {  	v4 =	vld [tilespmem:s13+$0x9410];
	v5 =	vsub.f32 v6, v7  }
0x2b: {  	s31 =	simm.s32 $0x100;
	s15 =	simm.s32 $0x80;
	v2 =	vand.u32 $0x7FFFFFFF, v2;
	[tilespmem:s13+$0x12040] =	vst v1;
	v1 =	vld [tilespmem:s13+$0x410]  }
0x2c: {  	s14 =	sand.u32 $0xF800, s31;
	s16 =	sand.u32 $0x380, s15;
	v6 =	vsub.f32 v8, v9;
	[tilespmem:s13+$0x12050] =	vst v2;
	v5 =	vand.u32 $0x7FFFFFFF, v5;
	v2 =	vld [tilespmem:s13+$0x420]  }
0x2d: {  	s14 =	sor.u32 s16, s14;
	s16 =	simm.s32 $0x200;
	[tilespmem:s13+$0x12060] =	vst v5;
	v5 =	vld [tilespmem:s13+$0x9420]  }
.LBB2_2:
0x2e: {  	p0 =	sne.s32 s16, $0x8F00;
	v7 =	vld [tilespmem:s14+$0x430];
	v6 =	vand.u32 $0x7FFFFFFF, v6;
	v0 =	vsub.f32 v0, v3  }
0x2f: {  	v3 =	vld [tilespmem:s14+$0x9430];
	[tilespmem:s13+$0x12070] =	vst v6  }
0x30: {  	v6 =	vld [tilespmem:s14+$0x0];
	v0 =	vand.u32 $0x7FFFFFFF, v0;
	v1 =	vsub.f32 v1, v4  }
0x31: {  	v4 =	vld [tilespmem:s14+$0x9000];
	[tilespmem:s13+$0x12400] =	vst v0  }
0x32: {  	v0 =	vld [tilespmem:s14+$0x10];
	v1 =	vand.u32 $0x7FFFFFFF, v1;
	v2 =	vsub.f32 v2, v5  }
0x33: {  	v5 =	vld [tilespmem:s14+$0x9010];
	[tilespmem:s13+$0x12410] =	vst v1  }
0x34: {  	v1 =	vld [tilespmem:s14+$0x20];
	v3 =	vsub.f32 v7, v3;
	v2 =	vand.u32 $0x7FFFFFFF, v2  }
0x35: {  	v7 =	vld [tilespmem:s14+$0x9020];
	[tilespmem:s13+$0x12420] =	vst v2;
	s13 =	smov.u32 s14  }
0x36: {  	v2 =	vsub.f32 v6, v4;
	v4 =	vld [tilespmem:s13+$0x30];
	v3 =	vand.u32 $0x7FFFFFFF, v3  }
0x37: {  	v6 =	vld [tilespmem:s13+$0x9030];
	[tilespmem:s13+$0x12430] =	vst v3  }
0x38: {  	v2 =	vand.u32 $0x7FFFFFFF, v2;
	v0 =	vsub.f32 v0, v5;
	v3 =	vld [tilespmem:s13+$0x40]  }
0x39: {  	[tilespmem:s13+$0x12000] =	vst v2;
	v2 =	vld [tilespmem:s13+$0x9040]  }
0x3a: {  	v0 =	vand.u32 $0x7FFFFFFF, v0;
	v1 =	vsub.f32 v1, v7;
	v5 =	vld [tilespmem:s13+$0x50]  }
0x3b: {  	[tilespmem:s13+$0x12010] =	vst v0;
	v0 =	vld [tilespmem:s13+$0x9050]  }
0x3c: {  	v1 =	vand.u32 $0x7FFFFFFF, v1;
	v4 =	vsub.f32 v4, v6;
	v6 =	vld [tilespmem:s13+$0x60]  }
0x3d: {  	[tilespmem:s13+$0x12020] =	vst v1;
	v1 =	vld [tilespmem:s13+$0x9060]  }
0x3e: {  	v4 =	vand.u32 $0x7FFFFFFF, v4;
	v2 =	vsub.f32 v3, v2;
	v7 =	vld [tilespmem:s13+$0x70]  }
0x3f: {  	[tilespmem:s13+$0x12030] =	vst v4;
	v8 =	vld [tilespmem:s13+$0x9070]  }
0x40: {  	v2 =	vand.u32 $0x7FFFFFFF, v2;
	v4 =	vsub.f32 v5, v0;
	v0 =	vld [tilespmem:s13+$0x400]  }
.Ltmp0:
0x41: {  	[tilespmem:s13+$0x12040] =	vst v2;
	v3 =	vld [tilespmem:s13+$0x9400];
	(pc) =	sbr.rel @p0 .LBB2_2-.Ltmp0, $4  }
0x42: {  	v2 =	vand.u32 $0x7FFFFFFF, v4;
	v5 =	vsub.f32 v6, v1;
	v1 =	vld [tilespmem:s13+$0x410]  }
0x43: {  	s15 =	sadd.s32 $0x80, s15;
	[tilespmem:s13+$0x12050] =	vst v2;
	v4 =	vld [tilespmem:s13+$0x9410]  }
0x44: {  	s17 =	sand.u32 $0x380, s15;
	s14 =	sand.u32 $0xF800, s16;
	v5 =	vand.u32 $0x7FFFFFFF, v5;
	v6 =	vsub.f32 v7, v8;
	v2 =	vld [tilespmem:s13+$0x420]  }
0x45: {  	s16 =	sadd.s32 $0x100, s16;
	s14 =	sor.u32 s17, s14;
	[tilespmem:s13+$0x12060] =	vst v5;
	v5 =	vld [tilespmem:s13+$0x9420]  }
0x46: {  	v7 =	vld [tilespmem:s14+$0x430];
	v6 =	vand.u32 $0x7FFFFFFF, v6;
	v0 =	vsub.f32 v0, v3  }
0x47: {  	v8 =	vld [tilespmem:s14+$0x9430];
	[tilespmem:s13+$0x12070] =	vst v6  }
0x48: {  	v3 =	vld [tilespmem:s14+$0x0];
	v0 =	vand.u32 $0x7FFFFFFF, v0;
	v1 =	vsub.f32 v1, v4  }
0x49: {  	v6 =	vld [tilespmem:s14+$0x9000];
	[tilespmem:s13+$0x12400] =	vst v0  }
0x4a: {  	v0 =	vld [tilespmem:s14+$0x10];
	v1 =	vand.u32 $0x7FFFFFFF, v1;
	v2 =	vsub.f32 v2, v5  }
0x4b: {  	v4 =	vld [tilespmem:s14+$0x9010];
	[tilespmem:s13+$0x12410] =	vst v1  }
0x4c: {  	v1 =	vld [tilespmem:s14+$0x20];
	v2 =	vand.u32 $0x7FFFFFFF, v2  }
0x4d: {  	v7 =	vsub.f32 v7, v8;
	v5 =	vld [tilespmem:s14+$0x9020];
	[tilespmem:s13+$0x12420] =	vst v2  }
0x4e: {  	v2 =	vld [tilespmem:s14+$0x30]  }
0x4f: {  	v3 =	vsub.f32 v3, v6;
	v6 =	vand.u32 $0x7FFFFFFF, v7;
	v7 =	vld [tilespmem:s14+$0x9030]  }
0x50: {  	[tilespmem:s14+$0x12430] =	vst v6;
	v6 =	vld [tilespmem:s14+$0x40]  }
0x51: {  	v3 =	vand.u32 $0x7FFFFFFF, v3;
	v0 =	vsub.f32 v0, v4;
	v4 =	vld [tilespmem:s14+$0x50]  }
0x52: {  	[tilespmem:s14+$0x12000] =	vst v3;
	v3 =	vld [tilespmem:s14+$0x9040];
	v1 =	vsub.f32 v1, v5  }
0x53: {  	v0 =	vand.u32 $0x7FFFFFFF, v0;
	v5 =	vld [tilespmem:s14+$0x60]  }
0x54: {  	[tilespmem:s14+$0x12010] =	vst v0;
	v0 =	vld [tilespmem:s14+$0x9050];
	v1 =	vand.u32 $0x7FFFFFFF, v1  }
0x55: {  	v2 =	vsub.f32 v2, v7;
	[tilespmem:s14+$0x12020] =	vst v1;
	v1 =	vld [tilespmem:s14+$0x9060]  }
0x56: {  	v7 =	vld [tilespmem:s14+$0x70]  }
0x57: {  	v2 =	vand.u32 $0x7FFFFFFF, v2;
	v3 =	vsub.f32 v6, v3;
	v6 =	vld [tilespmem:s14+$0x400]  }
0x58: {  	[tilespmem:s14+$0x12030] =	vst v2;
	v2 =	vld [tilespmem:s14+$0x9070]  }
0x59: {  	v3 =	vand.u32 $0x7FFFFFFF, v3;
	v0 =	vsub.f32 v4, v0;
	v4 =	vld [tilespmem:s14+$0x410]  }
0x5a: {  	[tilespmem:s14+$0x12040] =	vst v3;
	v3 =	vld [tilespmem:s14+$0x9400];
	v1 =	vsub.f32 v5, v1  }
0x5b: {  	v0 =	vand.u32 $0x7FFFFFFF, v0;
	v5 =	vld [tilespmem:s14+$0x420]  }
0x5c: {  	[tilespmem:s14+$0x12050] =	vst v0;
	v0 =	vld [tilespmem:s14+$0x9410];
	v1 =	vand.u32 $0x7FFFFFFF, v1  }
0x5d: {  	[tilespmem:s14+$0x12060] =	vst v1;
	v1 =	vld [tilespmem:s14+$0x9420];
	_ =	sdelay $0x1  }
0x5e: {  	v2 =	vsub.f32 v7, v2  }
0x5f: {  	v3 =	vsub.f32 v6, v3  }
0x60: {  	v2 =	vand.u32 $0x7FFFFFFF, v2;
	v0 =	vsub.f32 v4, v0  }
0x61: {  	[tilespmem:s14+$0x12070] =	vst v2;
	v2 =	vand.u32 $0x7FFFFFFF, v3;
	v1 =	vsub.f32 v5, v1  }
0x62: {  	[tilespmem:s14+$0x12400] =	vst v2;
	v0 =	vand.u32 $0x7FFFFFFF, v0  }
0x63: {  	[tilespmem:s14+$0x12410] =	vst v0;
	v0 =	vand.u32 $0x7FFFFFFF, v1  }
0x64: {  	[tilespmem:s14+$0x12420] =	vst v0;
	s14 =	simm.s32 $0x0  }
0x65: {  	[tilespmem:s14], [sflag:$0x1] =	stream.linear.gather [hbm4b:s5+s14], $0x9000, $0x38;
	[tilespmem:$0x1B000] =	vst v63  }
0x66: {  	_ =	swait.ge [sflag:s9], $0x9000  }
0x67: {  	[sflag:s9] =	ssyncset.done $0x0  }
0x68: {  	[sflag:s9] =	ssyncadd.s32 $0xFFFF7000  }
0x69: {  	[tilespmem:s10], [sflag:$0x1] =	stream.linear.gather [hbm4b:s6+s14], $0x9000, $0x38;
	[tilespmem:$0x1B000] =	vst v63  }
0x6a: {  	_ =	swait.ge [sflag:s9], $0x9000  }
0x6b: {  	s31 =	sand.u32 $0xF800, s14;
	s15 =	sand.u32 $0x380, s14;
	[sflag:s9] =	ssyncset.done $0x0  }
0x6c: {  	s13 =	sor.u32 s15, s31;
	[sflag:s9] =	ssyncadd.s32 $0xFFFF7000  }
0x6d: {  	v14 =	vld [tilespmem:s13+$0x0]  }
0x6e: {  	v15 =	vld [tilespmem:s13+$0x9000]  }
0x6f: {  	v16 =	vld [tilespmem:s13+$0x10]  }
0x70: {  	v17 =	vld [tilespmem:s13+$0x9010]  }
0x71: {  	v19 =	vld [tilespmem:s13+$0x20]  }
0x72: {  	v20 =	vld [tilespmem:s13+$0x9020]  }
0x73: {  	v22 =	vld [tilespmem:s13+$0x30]  }
0x74: {  	v23 =	vld [tilespmem:s13+$0x9030]  }
0x75: {  	v24 =	vld [tilespmem:s13+$0x40]  }
0x76: {  	v25 =	vld [tilespmem:s13+$0x9040]  }
0x77: {  	v12 =	vld [tilespmem:s13+$0x50]  }
0x78: {  	v13 =	vld [tilespmem:s13+$0x9050]  }
0x79: {  	v10 =	vld [tilespmem:s13+$0x60]  }
0x7a: {  	v11 =	vld [tilespmem:s13+$0x9060]  }
0x7b: {  	v8 =	vld [tilespmem:s13+$0x70]  }
0x7c: {  	v9 =	vld [tilespmem:s13+$0x9070]  }
0x7d: {  	v6 =	vld [tilespmem:s13+$0x400]  }
0x7e: {  	v7 =	vld [tilespmem:s13+$0x9400]  }
0x7f: {  	v4 =	vld [tilespmem:s13+$0x410]  }
0x80: {  	v5 =	vld [tilespmem:s13+$0x9410]  }
0x81: {  	v2 =	vld [tilespmem:s13+$0x420]  }
0x82: {  	v3 =	vld [tilespmem:s13+$0x9420]  }
0x83: {  	v0 =	vld [tilespmem:s13+$0x430]  }
0x84: {  	v1 =	vld [tilespmem:s13+$0x9430]  }
0x85: {  	v21 =	vld [tilespmem:s13+$0x12000]  }
0x86: {  	v26 =	vld [tilespmem:s13+$0x12010]  }
0x87: {  	v18 =	vld [tilespmem:s13+$0x12020];
	v14 =	vsub.f32 v14, v15  }
0x88: {  	v15 =	vsub.f32 v16, v17;
	v17 =	vld [tilespmem:s13+$0x12030]  }
0x89: {  	v20 =	vsub.f32 v19, v20;
	v16 =	vld [tilespmem:s13+$0x12040];
	v14 =	vand.u32 $0x7FFFFFFF, v14  }
0x8a: {  	v22 =	vsub.f32 v22, v23;
	v21 =	vadd.f32 v14, v21;
	v14 =	vand.u32 $0x7FFFFFFF, v15;
	v15 =	vld [tilespmem:s13+$0x12050]  }
0x8b: {  	s15 =	simm.s32 $0x100;
	v23 =	vand.u32 $0x7FFFFFFF, v20;
	v20 =	vsub.f32 v24, v25;
	v19 =	vadd.f32 v14, v26;
	v14 =	vld [tilespmem:s13+$0x12060]  }
.LBB2_4:
0x8c: {  	p0 =	sne.s32 s15, $0x8F00;
	[tilespmem:s13+$0x12000] =	vst v21;
	v18 =	vadd.f32 v23, v18;
	v21 =	vand.u32 $0x7FFFFFFF, v22;
	v12 =	vsub.f32 v12, v13;
	v13 =	vld [tilespmem:s13+$0x12070]  }
0x8d: {  	v10 =	vsub.f32 v10, v11;
	[tilespmem:s13+$0x12010] =	vst v19;
	v17 =	vadd.f32 v21, v17;
	v19 =	vand.u32 $0x7FFFFFFF, v20;
	v11 =	vld [tilespmem:s13+$0x12400]  }
0x8e: {  	v8 =	vsub.f32 v8, v9;
	s14 =	sadd.s32 $0x80, s14;
	[tilespmem:s13+$0x12020] =	vst v18;
	v16 =	vadd.f32 v19, v16;
	v12 =	vand.u32 $0x7FFFFFFF, v12;
	v9 =	vld [tilespmem:s13+$0x12410]  }
0x8f: {  	s16 =	sand.u32 $0xF800, s15;
	v6 =	vsub.f32 v6, v7;
	s17 =	sand.u32 $0x380, s14;
	v10 =	vand.u32 $0x7FFFFFFF, v10;
	[tilespmem:s13+$0x12030] =	vst v17;
	v12 =	vadd.f32 v12, v15;
	v7 =	vld [tilespmem:s13+$0x12420]  }
0x90: {  	v4 =	vsub.f32 v4, v5;
	s16 =	sor.u32 s17, s16;
	v8 =	vand.u32 $0x7FFFFFFF, v8;
	[tilespmem:s13+$0x12040] =	vst v16;
	v10 =	vadd.f32 v10, v14;
	v5 =	vld [tilespmem:s13+$0x12430]  }
0x91: {  	v2 =	vsub.f32 v2, v3;
	v6 =	vand.u32 $0x7FFFFFFF, v6;
	v14 =	vld [tilespmem:s16+$0x0];
	[tilespmem:s13+$0x12050] =	vst v12;
	v8 =	vadd.f32 v8, v13  }
0x92: {  	v0 =	vsub.f32 v0, v1;
	v4 =	vand.u32 $0x7FFFFFFF, v4;
	v15 =	vld [tilespmem:s16+$0x9000];
	[tilespmem:s13+$0x12060] =	vst v10;
	v3 =	vadd.f32 v6, v11  }
0x93: {  	v2 =	vand.u32 $0x7FFFFFFF, v2;
	v16 =	vld [tilespmem:s16+$0x10];
	[tilespmem:s13+$0x12070] =	vst v8;
	v1 =	vadd.f32 v4, v9  }
0x94: {  	v0 =	vand.u32 $0x7FFFFFFF, v0;
	v17 =	vld [tilespmem:s16+$0x9010];
	[tilespmem:s13+$0x12400] =	vst v3;
	v2 =	vadd.f32 v2, v7  }
0x95: {  	v19 =	vld [tilespmem:s16+$0x20];
	[tilespmem:s13+$0x12410] =	vst v1;
	v0 =	vadd.f32 v0, v5  }
0x96: {  	v20 =	vld [tilespmem:s16+$0x9020];
	[tilespmem:s13+$0x12420] =	vst v2  }
0x97: {  	v22 =	vld [tilespmem:s16+$0x30];
	[tilespmem:s13+$0x12430] =	vst v0;
	s13 =	smov.u32 s16  }
0x98: {  	v23 =	vld [tilespmem:s13+$0x9030]  }
0x99: {  	v24 =	vld [tilespmem:s13+$0x40]  }
0x9a: {  	v25 =	vld [tilespmem:s13+$0x9040]  }
0x9b: {  	v12 =	vld [tilespmem:s13+$0x50]  }
0x9c: {  	v13 =	vld [tilespmem:s13+$0x9050]  }
0x9d: {  	v10 =	vld [tilespmem:s13+$0x60]  }
0x9e: {  	v11 =	vld [tilespmem:s13+$0x9060]  }
0x9f: {  	v8 =	vld [tilespmem:s13+$0x70]  }
0xa0: {  	v9 =	vld [tilespmem:s13+$0x9070]  }
0xa1: {  	v6 =	vld [tilespmem:s13+$0x400]  }
0xa2: {  	v7 =	vld [tilespmem:s13+$0x9400]  }
0xa3: {  	v4 =	vld [tilespmem:s13+$0x410]  }
0xa4: {  	v5 =	vld [tilespmem:s13+$0x9410]  }
0xa5: {  	v2 =	vld [tilespmem:s13+$0x420]  }
0xa6: {  	v3 =	vld [tilespmem:s13+$0x9420]  }
0xa7: {  	v0 =	vld [tilespmem:s13+$0x430]  }
0xa8: {  	v1 =	vld [tilespmem:s13+$0x9430]  }
0xa9: {  	v21 =	vld [tilespmem:s13+$0x12000]  }
0xaa: {  	v26 =	vld [tilespmem:s13+$0x12010]  }
.Ltmp1:
0xab: {  	v14 =	vsub.f32 v14, v15;
	v18 =	vld [tilespmem:s13+$0x12020];
	(pc) =	sbr.rel @p0 .LBB2_4-.Ltmp1, $4  }
0xac: {  	v15 =	vsub.f32 v16, v17;
	v17 =	vld [tilespmem:s13+$0x12030]  }
0xad: {  	v14 =	vand.u32 $0x7FFFFFFF, v14;
	v20 =	vsub.f32 v19, v20;
	v16 =	vld [tilespmem:s13+$0x12040]  }
0xae: {  	v22 =	vsub.f32 v22, v23;
	v21 =	vadd.f32 v14, v21;
	v14 =	vand.u32 $0x7FFFFFFF, v15;
	v15 =	vld [tilespmem:s13+$0x12050]  }
0xaf: {  	s15 =	sadd.s32 $0x100, s15;
	v23 =	vand.u32 $0x7FFFFFFF, v20;
	v20 =	vsub.f32 v24, v25;
	v19 =	vadd.f32 v14, v26;
	v14 =	vld [tilespmem:s13+$0x12060]  }
0xb0: {  	[tilespmem:s13+$0x12000] =	vst v21;
	v18 =	vadd.f32 v23, v18;
	v55 =	vand.u32 $0x7FFFFFFF, v22;
	v12 =	vsub.f32 v12, v13;
	v56 =	vld [tilespmem:s13+$0x12070]  }
0xb1: {  	v10 =	vsub.f32 v10, v11;
	v58 =	vld [tilespmem:s13+$0x12400];
	[tilespmem:s13+$0x12010] =	vst v19;
	v17 =	vadd.f32 v55, v17;
	v57 =	vand.u32 $0x7FFFFFFF, v20  }
0xb2: {  	v8 =	vsub.f32 v8, v9;
	v59 =	vld [tilespmem:s13+$0x12410];
	[tilespmem:s13+$0x12020] =	vst v18;
	v16 =	vadd.f32 v57, v16;
	v12 =	vand.u32 $0x7FFFFFFF, v12  }
0xb3: {  	v6 =	vsub.f32 v6, v7;
	v60 =	vld [tilespmem:s13+$0x12420];
	v10 =	vand.u32 $0x7FFFFFFF, v10;
	[tilespmem:s13+$0x12030] =	vst v17;
	v12 =	vadd.f32 v12, v15  }
0xb4: {  	v4 =	vsub.f32 v4, v5;
	v61 =	vld [tilespmem:s13+$0x12430];
	v8 =	vand.u32 $0x7FFFFFFF, v8;
	[tilespmem:s13+$0x12040] =	vst v16;
	v10 =	vadd.f32 v10, v14  }
0xb5: {  	v2 =	vsub.f32 v2, v3;
	v6 =	vand.u32 $0x7FFFFFFF, v6;
	[tilespmem:s13+$0x12050] =	vst v12;
	v8 =	vadd.f32 v8, v56  }
0xb6: {  	v0 =	vsub.f32 v0, v1;
	v4 =	vand.u32 $0x7FFFFFFF, v4;
	v62 =	vadd.f32 v6, v58;
	[tilespmem:s13+$0x12060] =	vst v10  }
0xb7: {  	v2 =	vand.u32 $0x7FFFFFFF, v2;
	v63 =	vadd.f32 v4, v59;
	[tilespmem:s13+$0x12070] =	vst v8  }
0xb8: {  	v0 =	vand.u32 $0x7FFFFFFF, v0;
	v2 =	vadd.f32 v2, v60;
	[tilespmem:s13+$0x12400] =	vst v62  }
0xb9: {  	s12 =	sadd.s32 $0x1, s12;
	v0 =	vadd.f32 v0, v61;
	[tilespmem:s13+$0x12410] =	vst v63  }
0xba: {  	p0 =	sne.s32 s12, s8;
	[tilespmem:s13+$0x12420] =	vst v2  }
.Ltmp2:
0xbb: {  	[tilespmem:s13+$0x12430] =	vst v0;
	(pc) =	sbr.rel @p0 .LBB2_1-.Ltmp2, $4  }
0xbc: {  	[hbm4b:s7+s2] =	stream.linear.scatter [tilespmem:s11], [sflag:$0x1], $0x9000, $0x38;
	[tilespmem:$0x1B000] =	vst v63  }
0xbd: {  	_ =	swait.ge [sflag:s9], $0x9000  }
0xbe: {  	[sflag:s9] =	ssyncset.done $0x0  }
0xbf: {  	[sflag:s9] =	ssyncadd.s32 $0xFFFF7000  }
0xc0: {  	_ =	sfence.sel $0x180000  }
0xc1: {  	[bflag:$0x0] =	sbarrier.arrive $0xFFFF  }
0xc2: {  	p0 =	sne.s32 s0, $0x0;
	_ =	strace $0x90000047  }
0xc3: {  	s0 =	sadd.s32 @!p0 $0x100000, s1;
	[bflag:$0x2] =	sbarrier.arrive $0xFFFF  }
0xc4: {  	[sflag:s0] =	ssyncadd.tile.s32 @!p0 $0x1;
	_ =	shalt  }
.Lfunc_end2:
_tile_overlayer_lowered:
.L_overlay_start_2:
0xc5: {  	(tag) =	ssettag $0x2  }
0xc6: {  	s0 =	rddreg [dreg:$0x0];
	s2 =	stileid.u32  }
0xc7: {  	s1 =	rddreg [dreg:$0x1];
	p0 =	sne.s32 s2, $0x0  }
0xc8: {  	s3 =	rddreg [dreg:$0x2];
	[bflag:$0x3] =	sbarrier.arrive $0xFFFF;
	s2 =	simm.s32 @!p0 $0x1C01  }
0xc9: {  	[timem:s3], [sflag:s2] =	dma.local @!p0 [hbm:s0], s1  }
0xca: {  	s0 =	simm.s32 @!p0 $0x1  }
0xcb: {  	_ =	swait.ge @!p0 [sflag:s0], s1  }
0xcc: {  	s1 =	ssub.s32 @!p0 $0x0, s1;
	[sflag:s0] =	ssyncset.done @!p0 $0x0  }
0xcd: {  	[sflag:s0] =	ssyncadd.s32 @!p0 s1  }
0xce: {  	[bflag:$0x3] =	sbarrier.arrive $0xFFFF  }
0xcf: {  	_ =	shalt  }

</sc_bundles>
